<compile_context>
chip_gen: v7x
topology: tpu7x:2x2x1
jax: 0.10.2.dev20260603
libtpu: 0.0.44.dev20260713+nightly
codegen_flags: <defaults>
</compile_context>

<pallas_src>
import jax
import jax.numpy as jnp
from jax import lax
from jax.experimental import pallas as pl
from jax.experimental.pallas import tpu as pltpu
from jax.experimental.pallas import tpu_sc as plsc

NC = 2
NS = 16
NW = NC * NS

L = 50
M = 5
D = 64
LANES = 16
SEGS = D // LANES
CH = 32
NCH = 256 // CH


def _body(tok_hbm, seq_hbm, table_hbm, out_hbm,
          idx_v, rows_v, out_v, seq_vm,
          sem_tok0, sem_tok1, sem_gat0, sem_gat1, sem_out):
  b_per_w = seq_vm.shape[0]
  wid = lax.axis_index("s") * NC + lax.axis_index("c")
  base = wid * b_per_w
  sem_tok = (sem_tok0, sem_tok1)
  sem_gat = (sem_gat0, sem_gat1)

  pltpu.sync_copy(seq_hbm.at[pl.ds(base, b_per_w)], seq_vm)

  def seqlen_of(i):
    v = plsc.load_gather(seq_vm, [jnp.zeros((LANES,), jnp.int32) + i])
    return lax.squeeze(lax.slice(v, (0,), (1,)), (0,))

  def tok_copy(i, s):
    return pltpu.make_async_copy(tok_hbm.at[base + i], idx_v.at[s], sem_tok[s])

  def gat_copy(s, c):
    off = pl.multiple_of(c * CH, CH)
    return pltpu.make_async_copy(
        table_hbm.at[idx_v.at[s, c]],
        rows_v.at[s, pl.ds(off, CH)], sem_gat[s])

  def n_chunks(n_rows):
    return (n_rows + CH - 1) // CH

  def fire_gathers(n_rows, s):
    def fire_c(c, _):
      gat_copy(s, c).start()
      return _
    lax.fori_loop(0, n_chunks(n_rows), fire_c, None)

  def wait_gathers(n_rows, s):
    def wait_c(c, _):
      gat_copy(s, c).wait()
      return _
    lax.fori_loop(0, n_chunks(n_rows), wait_c, None)

  def out_copy(i, s):
    return pltpu.make_async_copy(
        out_v.at[s], out_hbm.at[pl.ds((base + i) * (L * D), L * D)], sem_out)

  tok_copy(0, 0).start()
  tok_copy(0, 0).wait()
  fire_gathers(seqlen_of(0) * M, 0)
  tok_copy(1, 1).start()

  def half(i, s):
    q = 1 - s
    seqlen = seqlen_of(i)
    i_next = jnp.minimum(i + 1, b_per_w - 1)
    n_rows_next = seqlen_of(i_next) * M

    @pl.when(i + 1 < b_per_w)
    def _():
      tok_copy(i + 1, q).wait()
      fire_gathers(n_rows_next, q)

    wait_gathers(seqlen * M, s)

    @pl.when(i + 2 < b_per_w)
    def _():
      tok_copy(i + 2, s).start()

    @pl.when(i >= 2)
    def _():
      out_copy(i - 2, s).wait()

    def word_body(l, _):
      r = l * M
      for seg in range(SEGS):
        col = pl.ds(seg * LANES, LANES)
        acc = rows_v[s, r, col]
        for m in range(1, M):
          acc = acc + rows_v[s, r + m, col]
        out_v[s, pl.ds(l * D + seg * LANES, LANES)] = acc
      return _

    lax.fori_loop(0, seqlen, word_body, None)

    zero = jnp.zeros((LANES,), jnp.float32)

    def pad_body(l, _):
      for seg in range(SEGS):
        out_v[s, pl.ds(l * D + seg * LANES, LANES)] = zero
      return _

    lax.fori_loop(seqlen, L, pad_body, None)

    out_copy(i, s).start()

  def pair_body(t, _):
    half(2 * t, 0)
    half(2 * t + 1, 1)
    return _

  lax.fori_loop(0, b_per_w // 2, pair_body, None)

  out_copy(b_per_w - 2, 0).wait()
  out_copy(b_per_w - 1, 1).wait()


def kernel(token_ids, seq_lens, table):
  B = token_ids.shape[0]
  b_per_w = B // NW
  tok = token_ids.astype(jnp.int32).reshape(B, L * M)
  tok = jnp.pad(tok, ((0, 0), (0, 256 - L * M))).reshape(B, NCH, CH)
  seq = seq_lens.astype(jnp.int32)

  mesh = plsc.VectorSubcoreMesh(core_axis_name="c", subcore_axis_name="s",
                                num_cores=NC, num_subcores=NS)
  run = pl.kernel(
      _body,
      out_type=jax.ShapeDtypeStruct((B * L * D,), jnp.float32),
      mesh=mesh,
      compiler_params=pltpu.CompilerParams(use_tc_tiling_on_sc=False,
                                           needs_layout_passes=False),
      scratch_types=[
          pltpu.VMEM((2, NCH, CH), jnp.int32),
          pltpu.VMEM((2, 256, D), jnp.float32),
          pltpu.VMEM((2, L * D), jnp.float32),
          pltpu.VMEM((b_per_w,), jnp.int32),
          pltpu.SemaphoreType.DMA,
          pltpu.SemaphoreType.DMA,
          pltpu.SemaphoreType.DMA,
          pltpu.SemaphoreType.DMA,
          pltpu.SemaphoreType.DMA,
      ],
  )
  return run(tok, seq, table).reshape(B, L, D)

# --- scband reference (transcript-rebuilt; emitter-appended) ---
"""Pipeline reference for scband-compositional-embeddings-80479097192542 (READ-ONLY COPY).

The authoritative reference and input builder live on the scoring server;
editing this copy changes nothing except your own understanding.
"""

import jax, jax.numpy as jnp
import numpy as np

# CompositionalEmbeddings essence: each word is a sequence of morpheme ids.
# Look up morpheme embeddings in a large table, compose (sum) them into a
# word embedding, then mask padded word positions per sequence lengths
# (the pad_sequence/pack_padded_sequence step in the original torch code).

VOCAB = 100001   # token_vocab_size = len(morpheme_encoder.items) + 1
EMBED = 64
B = 4096         # batch of sequences
L = 50           # max words per sequence (hist_len)
M = 5            # max morphemes per word (max_len)


def setup_inputs(seed: int = 0) -> dict:
    key = jax.random.key(seed)
    k1, k2, k3 = jax.random.split(key, 3)
    token_ids = jax.random.randint(k1, (B, L, M), 0, 100000)
    seq_lens = jax.random.randint(k2, (B,), 1, L + 1)
    # learned morpheme embedding table (EmbeddingLayer parameter)
    table = jax.random.normal(k3, (VOCAB, EMBED), dtype=jnp.float32) * 0.02
    return {"token_ids": token_ids, "seq_lens": seq_lens, "table": table}


def reference(token_ids, seq_lens, table):
    # gather morpheme embeddings: [B, L, M, d]
    morph_emb = jnp.take(table, token_ids, axis=0)
    # compose morphemes into word embeddings (comp_fn='sum'): [B, L, d]
    word_emb = jnp.sum(morph_emb, axis=2)
    # mask padded word positions (equivalent of pad/pack with seq_lens)
    mask = (jnp.arange(L)[None, :] < seq_lens[:, None]).astype(word_emb.dtype)
    out = word_emb * mask[:, :, None]
    return out

if __name__ == "__main__":
    import jax
    _d = setup_inputs()
    print(jax.jit(kernel)(*tuple(_d.values())))

</pallas_src>

<mosaic_0001>
#map = affine_map<(d0, d1) -> (0, 0, 0)>
#map1 = affine_map<(d0, d1) -> (0)>
#map2 = affine_map<(d0, d1) -> (0, 0)>
module attributes {stable_mosaic.version = 14 : i64} {
  func.func @_body(%arg0: i32, %arg1: i32, %arg2: memref<4096x8x32xi32, #tpu.memory_space<hbm>>, %arg3: memref<4096xi32, #tpu.memory_space<hbm>>, %arg4: memref<100001x64xf32, #tpu.memory_space<hbm>>, %arg5: memref<13107200xf32, #tpu.memory_space<hbm>>, %arg6: memref<2x8x32xi32, #tpu.memory_space<vmem>>, %arg7: memref<2x256x64xf32, #tpu.memory_space<vmem>>, %arg8: memref<2x3200xf32, #tpu.memory_space<vmem>>, %arg9: memref<128xi32, #tpu.memory_space<vmem>>, %arg10: memref<!tpu.dma_semaphore, #tpu.memory_space<semaphore_mem>>, %arg11: memref<!tpu.dma_semaphore, #tpu.memory_space<semaphore_mem>>, %arg12: memref<!tpu.dma_semaphore, #tpu.memory_space<semaphore_mem>>, %arg13: memref<!tpu.dma_semaphore, #tpu.memory_space<semaphore_mem>>, %arg14: memref<!tpu.dma_semaphore, #tpu.memory_space<semaphore_mem>>) attributes {dimension_semantics = [#tpu.dimension_semantics<core_parallel>, #tpu.dimension_semantics<subcore_parallel>], iteration_bounds = array<i64: 2, 16>, scalar_prefetch = 0 : i64, scratch_operands = 9 : i64, tpu.core_type = #tpu.core_type<sc_vector_subcore>, window_params = [{transform_indices = #map}, {transform_indices = #map1}, {transform_indices = #map2}, {transform_indices = #map1}]} {
    %mul3A = arith.constant 2 : i32
    %mul3A_0 = arith.muli %arg1, %mul3A : i32
    %add3A = arith.addi %mul3A_0, %arg0 : i32
    %mul3A_1 = arith.constant 128 : i32
    %mul3A_2 = arith.muli %add3A, %mul3A_1 : i32
    "tpu.region"() ({
      %run_scoped3A = tpu.sem_alloc : memref<!tpu.dma_semaphore, #tpu.memory_space<semaphore_mem>>
      %dma_start3A_122 = tpu.memref_slice %arg3[%mul3A_2] : memref<4096xi32, #tpu.memory_space<hbm>> -> memref<128xi32, #tpu.memory_space<hbm>>
      %dma_start3A_123 = tpu.memref_slice %arg3[%mul3A_2] : memref<4096xi32, #tpu.memory_space<hbm>> -> memref<128xi32, #tpu.memory_space<hbm>>
      tpu.enqueue_dma source(%dma_start3A_123 : memref<128xi32, #tpu.memory_space<hbm>>) target(%arg9 : memref<128xi32, #tpu.memory_space<vmem>>) target_semaphore(%run_scoped3A : memref<!tpu.dma_semaphore, #tpu.memory_space<semaphore_mem>>)
      %dma_wait3A_124 = tpu.memref_slice %arg3[%mul3A_2] : memref<4096xi32, #tpu.memory_space<hbm>> -> memref<128xi32, #tpu.memory_space<hbm>>
      %dma_wait3A_125 = tpu.memref_slice %arg3[%mul3A_2] : memref<4096xi32, #tpu.memory_space<hbm>> -> memref<128xi32, #tpu.memory_space<hbm>>
      tpu.wait_dma2 semaphore(%run_scoped3A : memref<!tpu.dma_semaphore, #tpu.memory_space<semaphore_mem>>) src(%dma_wait3A_125 : memref<128xi32, #tpu.memory_space<hbm>>) dst(%arg9 : memref<128xi32, #tpu.memory_space<vmem>>)
      tpu.yield
    }) : () -> ()
    %add3A_3 = arith.constant 0 : i32
    %add3A_4 = arith.addi %mul3A_2, %add3A_3 : i32
    %dma_start3A = arith.constant 0 : i32
    %dma_start3A_5 = arith.constant 0 : i32
    %dma_start3A_6 = arith.constant 0 : i32
    %dma_start3A_7 = tpu.memref_slice %arg6[%dma_start3A, %dma_start3A_5, %dma_start3A_6] : memref<2x8x32xi32, #tpu.memory_space<vmem>> -> memref<1x8x32xi32, #tpu.memory_space<vmem>>
    %dma_start3A_8 = tpu.memref_squeeze %dma_start3A_7 : memref<1x8x32xi32, #tpu.memory_space<vmem>> -> memref<8x32xi32, #tpu.memory_space<vmem>>
    %dma_start3A_9 = arith.constant 0 : i32
    %dma_start3A_10 = arith.constant 0 : i32
    %dma_start3A_11 = tpu.memref_slice %arg2[%add3A_4, %dma_start3A_9, %dma_start3A_10] : memref<4096x8x32xi32, #tpu.memory_space<hbm>> -> memref<1x8x32xi32, #tpu.memory_space<hbm>>
    %dma_start3A_12 = tpu.memref_squeeze %dma_start3A_11 : memref<1x8x32xi32, #tpu.memory_space<hbm>> -> memref<8x32xi32, #tpu.memory_space<hbm>>
    %dma_start3A_13 = arith.constant 0 : i32
    %dma_start3A_14 = arith.constant 0 : i32
    %dma_start3A_15 = tpu.memref_slice %arg6[%dma_start3A, %dma_start3A_13, %dma_start3A_14] : memref<2x8x32xi32, #tpu.memory_space<vmem>> -> memref<1x8x32xi32, #tpu.memory_space<vmem>>
    %dma_start3A_16 = tpu.memref_squeeze %dma_start3A_15 : memref<1x8x32xi32, #tpu.memory_space<vmem>> -> memref<8x32xi32, #tpu.memory_space<vmem>>
    %dma_start3A_17 = arith.constant 0 : i32
    %dma_start3A_18 = arith.constant 0 : i32
    %dma_start3A_19 = tpu.memref_slice %arg2[%add3A_4, %dma_start3A_17, %dma_start3A_18] : memref<4096x8x32xi32, #tpu.memory_space<hbm>> -> memref<1x8x32xi32, #tpu.memory_space<hbm>>
    %dma_start3A_20 = tpu.memref_squeeze %dma_start3A_19 : memref<1x8x32xi32, #tpu.memory_space<hbm>> -> memref<8x32xi32, #tpu.memory_space<hbm>>
    tpu.enqueue_dma source(%dma_start3A_20 : memref<8x32xi32, #tpu.memory_space<hbm>>) target(%dma_start3A_16 : memref<8x32xi32, #tpu.memory_space<vmem>>) target_semaphore(%arg10 : memref<!tpu.dma_semaphore, #tpu.memory_space<semaphore_mem>>)
    %add3A_21 = arith.constant 0 : i32
    %add3A_22 = arith.addi %mul3A_2, %add3A_21 : i32
    %dma_wait3A = arith.constant 0 : i32
    %dma_wait3A_23 = arith.constant 0 : i32
    %dma_wait3A_24 = arith.constant 0 : i32
    %dma_wait3A_25 = tpu.memref_slice %arg6[%dma_wait3A, %dma_wait3A_23, %dma_wait3A_24] : memref<2x8x32xi32, #tpu.memory_space<vmem>> -> memref<1x8x32xi32, #tpu.memory_space<vmem>>
    %dma_wait3A_26 = tpu.memref_squeeze %dma_wait3A_25 : memref<1x8x32xi32, #tpu.memory_space<vmem>> -> memref<8x32xi32, #tpu.memory_space<vmem>>
    %dma_wait3A_27 = arith.constant 0 : i32
    %dma_wait3A_28 = arith.constant 0 : i32
    %dma_wait3A_29 = tpu.memref_slice %arg2[%add3A_22, %dma_wait3A_27, %dma_wait3A_28] : memref<4096x8x32xi32, #tpu.memory_space<hbm>> -> memref<1x8x32xi32, #tpu.memory_space<hbm>>
    %dma_wait3A_30 = tpu.memref_squeeze %dma_wait3A_29 : memref<1x8x32xi32, #tpu.memory_space<hbm>> -> memref<8x32xi32, #tpu.memory_space<hbm>>
    %dma_wait3A_31 = arith.constant 0 : i32
    %dma_wait3A_32 = arith.constant 0 : i32
    %dma_wait3A_33 = tpu.memref_slice %arg6[%dma_wait3A, %dma_wait3A_31, %dma_wait3A_32] : memref<2x8x32xi32, #tpu.memory_space<vmem>> -> memref<1x8x32xi32, #tpu.memory_space<vmem>>
    %dma_wait3A_34 = tpu.memref_squeeze %dma_wait3A_33 : memref<1x8x32xi32, #tpu.memory_space<vmem>> -> memref<8x32xi32, #tpu.memory_space<vmem>>
    %dma_wait3A_35 = arith.constant 0 : i32
    %dma_wait3A_36 = arith.constant 0 : i32
    %dma_wait3A_37 = tpu.memref_slice %arg2[%add3A_22, %dma_wait3A_35, %dma_wait3A_36] : memref<4096x8x32xi32, #tpu.memory_space<hbm>> -> memref<1x8x32xi32, #tpu.memory_space<hbm>>
    %dma_wait3A_38 = tpu.memref_squeeze %dma_wait3A_37 : memref<1x8x32xi32, #tpu.memory_space<hbm>> -> memref<8x32xi32, #tpu.memory_space<hbm>>
    tpu.wait_dma2 semaphore(%arg10 : memref<!tpu.dma_semaphore, #tpu.memory_space<semaphore_mem>>) src(%dma_wait3A_38 : memref<8x32xi32, #tpu.memory_space<hbm>>) dst(%dma_wait3A_34 : memref<8x32xi32, #tpu.memory_space<vmem>>)
    %broadcast_in_dim3A = arith.constant 0 : i32
    %broadcast_in_dim3A_39 = vector.broadcast %broadcast_in_dim3A : i32 to vector<16xi32>
    %add3A_40 = arith.constant 0 : i32
    %add3A_41 = vector.broadcast %add3A_40 : i32 to vector<16xi32>
    %add3A_42 = arith.addi %broadcast_in_dim3A_39, %add3A_41 : vector<16xi32>
    %gather3A = tpu.vector_load_idx %arg9[%add3A_42] : memref<128xi32, #tpu.memory_space<vmem>>[vector<16xi32>], vector<16xi32>,
    %slice3A = vector.extract_strided_slice %gather3A {offsets = [0], sizes = [1], strides = [1]} : vector<16xi32> to vector<1xi32>
    %squeeze3A = vector.extract %slice3A[0] : i32 from vector<1xi32>
    %mul3A_43 = arith.constant 5 : i32
    %mul3A_44 = arith.muli %squeeze3A, %mul3A_43 : i32
    %add3A_45 = arith.constant 32 : i32
    %add3A_46 = arith.addi %mul3A_44, %add3A_45 : i32
    %sub3A = arith.constant 1 : i32
    %sub3A_47 = arith.subi %add3A_46, %sub3A : i32
    %jit3A = arith.constant 32 : i32
    %div3A = arith.divsi %sub3A_47, %jit3A : i32
    %sign3A = arith.constant 0 : i32
    %sign3A_48 = arith.cmpi sgt, %sub3A_47, %sign3A : i32
    %sign3A_49 = arith.extui %sign3A_48 : i1 to i32
    %sign3A_50 = arith.constant 0 : i32
    %sign3A_51 = arith.cmpi slt, %sub3A_47, %sign3A_50 : i32
    %sign3A_52 = arith.extui %sign3A_51 : i1 to i32
    %sign3A_53 = arith.subi %sign3A_49, %sign3A_52 : i32
    %sign3A_54 = arith.constant 0 : i32
    %sign3A_55 = arith.cmpi sgt, %jit3A, %sign3A_54 : i32
    %sign3A_56 = arith.extui %sign3A_55 : i1 to i32
    %sign3A_57 = arith.constant 0 : i32
    %sign3A_58 = arith.cmpi slt, %jit3A, %sign3A_57 : i32
    %sign3A_59 = arith.extui %sign3A_58 : i1 to i32
    %sign3A_60 = arith.subi %sign3A_56, %sign3A_59 : i32
    %ne3A = arith.cmpi ne, %sign3A_53, %sign3A_60 : i32
    %rem3A = arith.remsi %sub3A_47, %jit3A : i32
    %ne3A_61 = arith.constant 0 : i32
    %ne3A_62 = arith.cmpi ne, %rem3A, %ne3A_61 : i32
    %and3A = arith.andi %ne3A, %ne3A_62 : i1
    %sub3A_63 = arith.constant 1 : i32
    %sub3A_64 = arith.subi %div3A, %sub3A_63 : i32
    %select_n3A = arith.select %and3A, %sub3A_64, %div3A : i32
    %while3A = arith.constant 0 : i32
    %while3A_65 = arith.subi %select_n3A, %while3A : i32
    %while3A_66 = arith.addi %while3A, %while3A_65 : i32
    %while3A_67 = arith.constant 1 : i32
    %while3A_68 = arith.divsi %while3A_65, %while3A_67 : i32
    %while3A_69 = arith.muli %while3A_68, %while3A_67 : i32
    %while3A_70 = arith.addi %while3A, %while3A_69 : i32
    %while3A_71 = arith.constant 1 : i32
    scf.for %while3A_122 = %while3A to %while3A_70 step %while3A_71  : i32 {
      %mul3A_123 = arith.constant 32 : i32
      %mul3A_124 = arith.muli %while3A_122, %mul3A_123 : i32
      %multiple_of3A = tpu.assume_multiple %mul3A_124, 32 : i32
      %dma_start3A_125 = arith.constant 0 : i32
      %dma_start3A_126 = arith.constant 0 : i32
      %dma_start3A_127 = arith.constant 0 : i32
      %dma_start3A_128 = tpu.memref_slice %arg7[%dma_start3A_126, %multiple_of3A, %dma_start3A_127] : memref<2x256x64xf32, #tpu.memory_space<vmem>> -> memref<1x32x64xf32, #tpu.memory_space<vmem>>
      %dma_start3A_129 = tpu.memref_squeeze %dma_start3A_128 : memref<1x32x64xf32, #tpu.memory_space<vmem>> -> memref<32x64xf32, #tpu.memory_space<vmem>>
      %dma_start3A_130 = arith.constant 0 : i32
      %dma_start3A_131 = tpu.memref_slice %arg6[%dma_start3A_125, %while3A_122, %dma_start3A_130] : memref<2x8x32xi32, #tpu.memory_space<vmem>> -> memref<1x1x32xi32, #tpu.memory_space<vmem>>
      %dma_start3A_132 = tpu.memref_squeeze %dma_start3A_131 : memref<1x1x32xi32, #tpu.memory_space<vmem>> -> memref<32xi32, #tpu.memory_space<vmem>>
      %dma_start3A_133 = arith.constant 0 : i32
      %dma_start3A_134 = arith.constant 0 : i32
      %dma_start3A_135 = tpu.memref_slice %arg4[%dma_start3A_133, %dma_start3A_134] : memref<100001x64xf32, #tpu.memory_space<hbm>> -> memref<100001x64xf32, #tpu.memory_space<hbm>>
      tpu.enqueue_indirect_dma source(%dma_start3A_135 : memref<100001x64xf32, #tpu.memory_space<hbm>>) target(%dma_start3A_129 : memref<32x64xf32, #tpu.memory_space<vmem>>) offsets(%dma_start3A_132 : memref<32xi32, #tpu.memory_space<vmem>>) semaphore(%arg12 : memref<!tpu.dma_semaphore, #tpu.memory_space<semaphore_mem>>)
    }
    %while3A_72 = arith.constant 1 : i32
    scf.for %while3A_122 = %while3A_70 to %while3A_66 step %while3A_72  : i32 {
      %mul3A_123 = arith.constant 32 : i32
      %mul3A_124 = arith.muli %while3A_122, %mul3A_123 : i32
      %multiple_of3A = tpu.assume_multiple %mul3A_124, 32 : i32
      %dma_start3A_125 = arith.constant 0 : i32
      %dma_start3A_126 = arith.constant 0 : i32
      %dma_start3A_127 = arith.constant 0 : i32
      %dma_start3A_128 = tpu.memref_slice %arg7[%dma_start3A_126, %multiple_of3A, %dma_start3A_127] : memref<2x256x64xf32, #tpu.memory_space<vmem>> -> memref<1x32x64xf32, #tpu.memory_space<vmem>>
      %dma_start3A_129 = tpu.memref_squeeze %dma_start3A_128 : memref<1x32x64xf32, #tpu.memory_space<vmem>> -> memref<32x64xf32, #tpu.memory_space<vmem>>
      %dma_start3A_130 = arith.constant 0 : i32
      %dma_start3A_131 = tpu.memref_slice %arg6[%dma_start3A_125, %while3A_122, %dma_start3A_130] : memref<2x8x32xi32, #tpu.memory_space<vmem>> -> memref<1x1x32xi32, #tpu.memory_space<vmem>>
      %dma_start3A_132 = tpu.memref_squeeze %dma_start3A_131 : memref<1x1x32xi32, #tpu.memory_space<vmem>> -> memref<32xi32, #tpu.memory_space<vmem>>
      %dma_start3A_133 = arith.constant 0 : i32
      %dma_start3A_134 = arith.constant 0 : i32
      %dma_start3A_135 = tpu.memref_slice %arg4[%dma_start3A_133, %dma_start3A_134] : memref<100001x64xf32, #tpu.memory_space<hbm>> -> memref<100001x64xf32, #tpu.memory_space<hbm>>
      tpu.enqueue_indirect_dma source(%dma_start3A_135 : memref<100001x64xf32, #tpu.memory_space<hbm>>) target(%dma_start3A_129 : memref<32x64xf32, #tpu.memory_space<vmem>>) offsets(%dma_start3A_132 : memref<32xi32, #tpu.memory_space<vmem>>) semaphore(%arg12 : memref<!tpu.dma_semaphore, #tpu.memory_space<semaphore_mem>>)
    }
    %add3A_73 = arith.constant 1 : i32
    %add3A_74 = arith.addi %mul3A_2, %add3A_73 : i32
    %dma_start3A_75 = arith.constant 1 : i32
    %dma_start3A_76 = arith.constant 0 : i32
    %dma_start3A_77 = arith.constant 0 : i32
    %dma_start3A_78 = tpu.memref_slice %arg6[%dma_start3A_75, %dma_start3A_76, %dma_start3A_77] : memref<2x8x32xi32, #tpu.memory_space<vmem>> -> memref<1x8x32xi32, #tpu.memory_space<vmem>>
    %dma_start3A_79 = tpu.memref_squeeze %dma_start3A_78 : memref<1x8x32xi32, #tpu.memory_space<vmem>> -> memref<8x32xi32, #tpu.memory_space<vmem>>
    %dma_start3A_80 = arith.constant 0 : i32
    %dma_start3A_81 = arith.constant 0 : i32
    %dma_start3A_82 = tpu.memref_slice %arg2[%add3A_74, %dma_start3A_80, %dma_start3A_81] : memref<4096x8x32xi32, #tpu.memory_space<hbm>> -> memref<1x8x32xi32, #tpu.memory_space<hbm>>
    %dma_start3A_83 = tpu.memref_squeeze %dma_start3A_82 : memref<1x8x32xi32, #tpu.memory_space<hbm>> -> memref<8x32xi32, #tpu.memory_space<hbm>>
    %dma_start3A_84 = arith.constant 0 : i32
    %dma_start3A_85 = arith.constant 0 : i32
    %dma_start3A_86 = tpu.memref_slice %arg6[%dma_start3A_75, %dma_start3A_84, %dma_start3A_85] : memref<2x8x32xi32, #tpu.memory_space<vmem>> -> memref<1x8x32xi32, #tpu.memory_space<vmem>>
    %dma_start3A_87 = tpu.memref_squeeze %dma_start3A_86 : memref<1x8x32xi32, #tpu.memory_space<vmem>> -> memref<8x32xi32, #tpu.memory_space<vmem>>
    %dma_start3A_88 = arith.constant 0 : i32
    %dma_start3A_89 = arith.constant 0 : i32
    %dma_start3A_90 = tpu.memref_slice %arg2[%add3A_74, %dma_start3A_88, %dma_start3A_89] : memref<4096x8x32xi32, #tpu.memory_space<hbm>> -> memref<1x8x32xi32, #tpu.memory_space<hbm>>
    %dma_start3A_91 = tpu.memref_squeeze %dma_start3A_90 : memref<1x8x32xi32, #tpu.memory_space<hbm>> -> memref<8x32xi32, #tpu.memory_space<hbm>>
    tpu.enqueue_dma source(%dma_start3A_91 : memref<8x32xi32, #tpu.memory_space<hbm>>) target(%dma_start3A_87 : memref<8x32xi32, #tpu.memory_space<vmem>>) target_semaphore(%arg11 : memref<!tpu.dma_semaphore, #tpu.memory_space<semaphore_mem>>)
    %scan3A = arith.constant 0 : i32
    %scan3A_92 = arith.constant 64 : i32
    %scan3A_93 = arith.addi %scan3A, %scan3A_92 : i32
    %scan3A_94 = arith.constant 1 : i32
    scf.for %scan3A_122 = %scan3A to %scan3A_93 step %scan3A_94  : i32 {
      %mul3A_123 = arith.constant 2 : i32
      %mul3A_124 = arith.muli %mul3A_123, %scan3A_122 : i32
      %broadcast_in_dim3A_125 = arith.constant 0 : i32
      %broadcast_in_dim3A_126 = vector.broadcast %broadcast_in_dim3A_125 : i32 to vector<16xi32>
      %add3A_127 = vector.broadcast %mul3A_124 : i32 to vector<16xi32>
      %add3A_128 = arith.addi %broadcast_in_dim3A_126, %add3A_127 : vector<16xi32>
      %gather3A_129 = tpu.vector_load_idx %arg9[%add3A_128] : memref<128xi32, #tpu.memory_space<vmem>>[vector<16xi32>], vector<16xi32>,
      %slice3A_130 = vector.extract_strided_slice %gather3A_129 {offsets = [0], sizes = [1], strides = [1]} : vector<16xi32> to vector<1xi32>
      %squeeze3A_131 = vector.extract %slice3A_130[0] : i32 from vector<1xi32>
      %add3A_132 = arith.constant 1 : i32
      %add3A_133 = arith.addi %mul3A_124, %add3A_132 : i32
      %min3A = arith.constant 127 : i32
      %min3A_134 = arith.minsi %add3A_133, %min3A : i32
      %broadcast_in_dim3A_135 = arith.constant 0 : i32
      %broadcast_in_dim3A_136 = vector.broadcast %broadcast_in_dim3A_135 : i32 to vector<16xi32>
      %add3A_137 = vector.broadcast %min3A_134 : i32 to vector<16xi32>
      %add3A_138 = arith.addi %broadcast_in_dim3A_136, %add3A_137 : vector<16xi32>
      %gather3A_139 = tpu.vector_load_idx %arg9[%add3A_138] : memref<128xi32, #tpu.memory_space<vmem>>[vector<16xi32>], vector<16xi32>,
      %slice3A_140 = vector.extract_strided_slice %gather3A_139 {offsets = [0], sizes = [1], strides = [1]} : vector<16xi32> to vector<1xi32>
      %squeeze3A_141 = vector.extract %slice3A_140[0] : i32 from vector<1xi32>
      %mul3A_142 = arith.constant 5 : i32
      %mul3A_143 = arith.muli %squeeze3A_141, %mul3A_142 : i32
      %add3A_144 = arith.constant 1 : i32
      %add3A_145 = arith.addi %mul3A_124, %add3A_144 : i32
      %lt3A = arith.constant 128 : i32
      %lt3A_146 = arith.cmpi slt, %add3A_145, %lt3A : i32
      %convert_element_type3A = arith.extui %lt3A_146 : i1 to i32
      %cond3A = arith.constant 0 : i32
      %cond3A_147 = arith.cmpi ne, %convert_element_type3A, %cond3A : i32
      scf.if %cond3A_147 {
        %add3A_344 = arith.constant 1 : i32
        %add3A_345 = arith.addi %mul3A_124, %add3A_344 : i32
        %add3A_346 = arith.addi %mul3A_2, %add3A_345 : i32
        %dma_wait3A_347 = arith.constant 1 : i32
        %dma_wait3A_348 = arith.constant 0 : i32
        %dma_wait3A_349 = arith.constant 0 : i32
        %dma_wait3A_350 = tpu.memref_slice %arg6[%dma_wait3A_347, %dma_wait3A_348, %dma_wait3A_349] : memref<2x8x32xi32, #tpu.memory_space<vmem>> -> memref<1x8x32xi32, #tpu.memory_space<vmem>>
        %dma_wait3A_351 = tpu.memref_squeeze %dma_wait3A_350 : memref<1x8x32xi32, #tpu.memory_space<vmem>> -> memref<8x32xi32, #tpu.memory_space<vmem>>
        %dma_wait3A_352 = arith.constant 0 : i32
        %dma_wait3A_353 = arith.constant 0 : i32
        %dma_wait3A_354 = tpu.memref_slice %arg2[%add3A_346, %dma_wait3A_352, %dma_wait3A_353] : memref<4096x8x32xi32, #tpu.memory_space<hbm>> -> memref<1x8x32xi32, #tpu.memory_space<hbm>>
        %dma_wait3A_355 = tpu.memref_squeeze %dma_wait3A_354 : memref<1x8x32xi32, #tpu.memory_space<hbm>> -> memref<8x32xi32, #tpu.memory_space<hbm>>
        %dma_wait3A_356 = arith.constant 0 : i32
        %dma_wait3A_357 = arith.constant 0 : i32
        %dma_wait3A_358 = tpu.memref_slice %arg6[%dma_wait3A_347, %dma_wait3A_356, %dma_wait3A_357] : memref<2x8x32xi32, #tpu.memory_space<vmem>> -> memref<1x8x32xi32, #tpu.memory_space<vmem>>
        %dma_wait3A_359 = tpu.memref_squeeze %dma_wait3A_358 : memref<1x8x32xi32, #tpu.memory_space<vmem>> -> memref<8x32xi32, #tpu.memory_space<vmem>>
        %dma_wait3A_360 = arith.constant 0 : i32
        %dma_wait3A_361 = arith.constant 0 : i32
        %dma_wait3A_362 = tpu.memref_slice %arg2[%add3A_346, %dma_wait3A_360, %dma_wait3A_361] : memref<4096x8x32xi32, #tpu.memory_space<hbm>> -> memref<1x8x32xi32, #tpu.memory_space<hbm>>
        %dma_wait3A_363 = tpu.memref_squeeze %dma_wait3A_362 : memref<1x8x32xi32, #tpu.memory_space<hbm>> -> memref<8x32xi32, #tpu.memory_space<hbm>>
        tpu.wait_dma2 semaphore(%arg11 : memref<!tpu.dma_semaphore, #tpu.memory_space<semaphore_mem>>) src(%dma_wait3A_363 : memref<8x32xi32, #tpu.memory_space<hbm>>) dst(%dma_wait3A_359 : memref<8x32xi32, #tpu.memory_space<vmem>>)
        %add3A_364 = arith.constant 32 : i32
        %add3A_365 = arith.addi %mul3A_143, %add3A_364 : i32
        %sub3A_366 = arith.constant 1 : i32
        %sub3A_367 = arith.subi %add3A_365, %sub3A_366 : i32
        %jit3A_368 = arith.constant 32 : i32
        %div3A_369 = arith.divsi %sub3A_367, %jit3A_368 : i32
        %sign3A_370 = arith.constant 0 : i32
        %sign3A_371 = arith.cmpi sgt, %sub3A_367, %sign3A_370 : i32
        %sign3A_372 = arith.extui %sign3A_371 : i1 to i32
        %sign3A_373 = arith.constant 0 : i32
        %sign3A_374 = arith.cmpi slt, %sub3A_367, %sign3A_373 : i32
        %sign3A_375 = arith.extui %sign3A_374 : i1 to i32
        %sign3A_376 = arith.subi %sign3A_372, %sign3A_375 : i32
        %sign3A_377 = arith.constant 0 : i32
        %sign3A_378 = arith.cmpi sgt, %jit3A_368, %sign3A_377 : i32
        %sign3A_379 = arith.extui %sign3A_378 : i1 to i32
        %sign3A_380 = arith.constant 0 : i32
        %sign3A_381 = arith.cmpi slt, %jit3A_368, %sign3A_380 : i32
        %sign3A_382 = arith.extui %sign3A_381 : i1 to i32
        %sign3A_383 = arith.subi %sign3A_379, %sign3A_382 : i32
        %ne3A_384 = arith.cmpi ne, %sign3A_376, %sign3A_383 : i32
        %rem3A_385 = arith.remsi %sub3A_367, %jit3A_368 : i32
        %ne3A_386 = arith.constant 0 : i32
        %ne3A_387 = arith.cmpi ne, %rem3A_385, %ne3A_386 : i32
        %and3A_388 = arith.andi %ne3A_384, %ne3A_387 : i1
        %sub3A_389 = arith.constant 1 : i32
        %sub3A_390 = arith.subi %div3A_369, %sub3A_389 : i32
        %select_n3A_391 = arith.select %and3A_388, %sub3A_390, %div3A_369 : i32
        %while3A_392 = arith.constant 0 : i32
        %while3A_393 = arith.subi %select_n3A_391, %while3A_392 : i32
        %while3A_394 = arith.addi %while3A_392, %while3A_393 : i32
        %while3A_395 = arith.constant 1 : i32
        %while3A_396 = arith.divsi %while3A_393, %while3A_395 : i32
        %while3A_397 = arith.muli %while3A_396, %while3A_395 : i32
        %while3A_398 = arith.addi %while3A_392, %while3A_397 : i32
        %while3A_399 = arith.constant 1 : i32
        scf.for %while3A_401 = %while3A_392 to %while3A_398 step %while3A_399  : i32 {
          %mul3A_402 = arith.constant 32 : i32
          %mul3A_403 = arith.muli %while3A_401, %mul3A_402 : i32
          %multiple_of3A = tpu.assume_multiple %mul3A_403, 32 : i32
          %dma_start3A_404 = arith.constant 1 : i32
          %dma_start3A_405 = arith.constant 1 : i32
          %dma_start3A_406 = arith.constant 0 : i32
          %dma_start3A_407 = tpu.memref_slice %arg7[%dma_start3A_405, %multiple_of3A, %dma_start3A_406] : memref<2x256x64xf32, #tpu.memory_space<vmem>> -> memref<1x32x64xf32, #tpu.memory_space<vmem>>
          %dma_start3A_408 = tpu.memref_squeeze %dma_start3A_407 : memref<1x32x64xf32, #tpu.memory_space<vmem>> -> memref<32x64xf32, #tpu.memory_space<vmem>>
          %dma_start3A_409 = arith.constant 0 : i32
          %dma_start3A_410 = tpu.memref_slice %arg6[%dma_start3A_404, %while3A_401, %dma_start3A_409] : memref<2x8x32xi32, #tpu.memory_space<vmem>> -> memref<1x1x32xi32, #tpu.memory_space<vmem>>
          %dma_start3A_411 = tpu.memref_squeeze %dma_start3A_410 : memref<1x1x32xi32, #tpu.memory_space<vmem>> -> memref<32xi32, #tpu.memory_space<vmem>>
          %dma_start3A_412 = arith.constant 0 : i32
          %dma_start3A_413 = arith.constant 0 : i32
          %dma_start3A_414 = tpu.memref_slice %arg4[%dma_start3A_412, %dma_start3A_413] : memref<100001x64xf32, #tpu.memory_space<hbm>> -> memref<100001x64xf32, #tpu.memory_space<hbm>>
          tpu.enqueue_indirect_dma source(%dma_start3A_414 : memref<100001x64xf32, #tpu.memory_space<hbm>>) target(%dma_start3A_408 : memref<32x64xf32, #tpu.memory_space<vmem>>) offsets(%dma_start3A_411 : memref<32xi32, #tpu.memory_space<vmem>>) semaphore(%arg13 : memref<!tpu.dma_semaphore, #tpu.memory_space<semaphore_mem>>)
        }
        %while3A_400 = arith.constant 1 : i32
        scf.for %while3A_401 = %while3A_398 to %while3A_394 step %while3A_400  : i32 {
          %mul3A_402 = arith.constant 32 : i32
          %mul3A_403 = arith.muli %while3A_401, %mul3A_402 : i32
          %multiple_of3A = tpu.assume_multiple %mul3A_403, 32 : i32
          %dma_start3A_404 = arith.constant 1 : i32
          %dma_start3A_405 = arith.constant 1 : i32
          %dma_start3A_406 = arith.constant 0 : i32
          %dma_start3A_407 = tpu.memref_slice %arg7[%dma_start3A_405, %multiple_of3A, %dma_start3A_406] : memref<2x256x64xf32, #tpu.memory_space<vmem>> -> memref<1x32x64xf32, #tpu.memory_space<vmem>>
          %dma_start3A_408 = tpu.memref_squeeze %dma_start3A_407 : memref<1x32x64xf32, #tpu.memory_space<vmem>> -> memref<32x64xf32, #tpu.memory_space<vmem>>
          %dma_start3A_409 = arith.constant 0 : i32
          %dma_start3A_410 = tpu.memref_slice %arg6[%dma_start3A_404, %while3A_401, %dma_start3A_409] : memref<2x8x32xi32, #tpu.memory_space<vmem>> -> memref<1x1x32xi32, #tpu.memory_space<vmem>>
          %dma_start3A_411 = tpu.memref_squeeze %dma_start3A_410 : memref<1x1x32xi32, #tpu.memory_space<vmem>> -> memref<32xi32, #tpu.memory_space<vmem>>
          %dma_start3A_412 = arith.constant 0 : i32
          %dma_start3A_413 = arith.constant 0 : i32
          %dma_start3A_414 = tpu.memref_slice %arg4[%dma_start3A_412, %dma_start3A_413] : memref<100001x64xf32, #tpu.memory_space<hbm>> -> memref<100001x64xf32, #tpu.memory_space<hbm>>
          tpu.enqueue_indirect_dma source(%dma_start3A_414 : memref<100001x64xf32, #tpu.memory_space<hbm>>) target(%dma_start3A_408 : memref<32x64xf32, #tpu.memory_space<vmem>>) offsets(%dma_start3A_411 : memref<32xi32, #tpu.memory_space<vmem>>) semaphore(%arg13 : memref<!tpu.dma_semaphore, #tpu.memory_space<semaphore_mem>>)
        }
      } else {
      }
      %mul3A_148 = arith.constant 5 : i32
      %mul3A_149 = arith.muli %squeeze3A_131, %mul3A_148 : i32
      %add3A_150 = arith.constant 32 : i32
      %add3A_151 = arith.addi %mul3A_149, %add3A_150 : i32
      %sub3A_152 = arith.constant 1 : i32
      %sub3A_153 = arith.subi %add3A_151, %sub3A_152 : i32
      %jit3A_154 = arith.constant 32 : i32
      %div3A_155 = arith.divsi %sub3A_153, %jit3A_154 : i32
      %sign3A_156 = arith.constant 0 : i32
      %sign3A_157 = arith.cmpi sgt, %sub3A_153, %sign3A_156 : i32
      %sign3A_158 = arith.extui %sign3A_157 : i1 to i32
      %sign3A_159 = arith.constant 0 : i32
      %sign3A_160 = arith.cmpi slt, %sub3A_153, %sign3A_159 : i32
      %sign3A_161 = arith.extui %sign3A_160 : i1 to i32
      %sign3A_162 = arith.subi %sign3A_158, %sign3A_161 : i32
      %sign3A_163 = arith.constant 0 : i32
      %sign3A_164 = arith.cmpi sgt, %jit3A_154, %sign3A_163 : i32
      %sign3A_165 = arith.extui %sign3A_164 : i1 to i32
      %sign3A_166 = arith.constant 0 : i32
      %sign3A_167 = arith.cmpi slt, %jit3A_154, %sign3A_166 : i32
      %sign3A_168 = arith.extui %sign3A_167 : i1 to i32
      %sign3A_169 = arith.subi %sign3A_165, %sign3A_168 : i32
      %ne3A_170 = arith.cmpi ne, %sign3A_162, %sign3A_169 : i32
      %rem3A_171 = arith.remsi %sub3A_153, %jit3A_154 : i32
      %ne3A_172 = arith.constant 0 : i32
      %ne3A_173 = arith.cmpi ne, %rem3A_171, %ne3A_172 : i32
      %and3A_174 = arith.andi %ne3A_170, %ne3A_173 : i1
      %sub3A_175 = arith.constant 1 : i32
      %sub3A_176 = arith.subi %div3A_155, %sub3A_175 : i32
      %select_n3A_177 = arith.select %and3A_174, %sub3A_176, %div3A_155 : i32
      %while3A_178 = arith.constant 0 : i32
      %while3A_179 = arith.subi %select_n3A_177, %while3A_178 : i32
      %while3A_180 = arith.addi %while3A_178, %while3A_179 : i32
      %while3A_181 = arith.constant 1 : i32
      %while3A_182 = arith.divsi %while3A_179, %while3A_181 : i32
      %while3A_183 = arith.muli %while3A_182, %while3A_181 : i32
      %while3A_184 = arith.addi %while3A_178, %while3A_183 : i32
      %while3A_185 = arith.constant 1 : i32
      scf.for %while3A_344 = %while3A_178 to %while3A_184 step %while3A_185  : i32 {
        %mul3A_345 = arith.constant 32 : i32
        %mul3A_346 = arith.muli %while3A_344, %mul3A_345 : i32
        %multiple_of3A = tpu.assume_multiple %mul3A_346, 32 : i32
        %dma_wait3A_347 = arith.constant 0 : i32
        %dma_wait3A_348 = arith.constant 0 : i32
        %dma_wait3A_349 = arith.constant 0 : i32
        %dma_wait3A_350 = tpu.memref_slice %arg7[%dma_wait3A_348, %multiple_of3A, %dma_wait3A_349] : memref<2x256x64xf32, #tpu.memory_space<vmem>> -> memref<1x32x64xf32, #tpu.memory_space<vmem>>
        %dma_wait3A_351 = tpu.memref_squeeze %dma_wait3A_350 : memref<1x32x64xf32, #tpu.memory_space<vmem>> -> memref<32x64xf32, #tpu.memory_space<vmem>>
        %dma_wait3A_352 = arith.constant 0 : i32
        %dma_wait3A_353 = tpu.memref_slice %arg6[%dma_wait3A_347, %while3A_344, %dma_wait3A_352] : memref<2x8x32xi32, #tpu.memory_space<vmem>> -> memref<1x1x32xi32, #tpu.memory_space<vmem>>
        %dma_wait3A_354 = tpu.memref_squeeze %dma_wait3A_353 : memref<1x1x32xi32, #tpu.memory_space<vmem>> -> memref<32xi32, #tpu.memory_space<vmem>>
        %dma_wait3A_355 = arith.constant 0 : i32
        %dma_wait3A_356 = arith.constant 0 : i32
        %dma_wait3A_357 = tpu.memref_slice %arg4[%dma_wait3A_355, %dma_wait3A_356] : memref<100001x64xf32, #tpu.memory_space<hbm>> -> memref<100001x64xf32, #tpu.memory_space<hbm>>
        tpu.wait_indirect_dma semaphore(%arg12 : memref<!tpu.dma_semaphore, #tpu.memory_space<semaphore_mem>>) src(%dma_wait3A_357 : memref<100001x64xf32, #tpu.memory_space<hbm>>) dst(%dma_wait3A_351 : memref<32x64xf32, #tpu.memory_space<vmem>>)
      }
      %while3A_186 = arith.constant 1 : i32
      scf.for %while3A_344 = %while3A_184 to %while3A_180 step %while3A_186  : i32 {
        %mul3A_345 = arith.constant 32 : i32
        %mul3A_346 = arith.muli %while3A_344, %mul3A_345 : i32
        %multiple_of3A = tpu.assume_multiple %mul3A_346, 32 : i32
        %dma_wait3A_347 = arith.constant 0 : i32
        %dma_wait3A_348 = arith.constant 0 : i32
        %dma_wait3A_349 = arith.constant 0 : i32
        %dma_wait3A_350 = tpu.memref_slice %arg7[%dma_wait3A_348, %multiple_of3A, %dma_wait3A_349] : memref<2x256x64xf32, #tpu.memory_space<vmem>> -> memref<1x32x64xf32, #tpu.memory_space<vmem>>
        %dma_wait3A_351 = tpu.memref_squeeze %dma_wait3A_350 : memref<1x32x64xf32, #tpu.memory_space<vmem>> -> memref<32x64xf32, #tpu.memory_space<vmem>>
        %dma_wait3A_352 = arith.constant 0 : i32
        %dma_wait3A_353 = tpu.memref_slice %arg6[%dma_wait3A_347, %while3A_344, %dma_wait3A_352] : memref<2x8x32xi32, #tpu.memory_space<vmem>> -> memref<1x1x32xi32, #tpu.memory_space<vmem>>
        %dma_wait3A_354 = tpu.memref_squeeze %dma_wait3A_353 : memref<1x1x32xi32, #tpu.memory_space<vmem>> -> memref<32xi32, #tpu.memory_space<vmem>>
        %dma_wait3A_355 = arith.constant 0 : i32
        %dma_wait3A_356 = arith.constant 0 : i32
        %dma_wait3A_357 = tpu.memref_slice %arg4[%dma_wait3A_355, %dma_wait3A_356] : memref<100001x64xf32, #tpu.memory_space<hbm>> -> memref<100001x64xf32, #tpu.memory_space<hbm>>
        tpu.wait_indirect_dma semaphore(%arg12 : memref<!tpu.dma_semaphore, #tpu.memory_space<semaphore_mem>>) src(%dma_wait3A_357 : memref<100001x64xf32, #tpu.memory_space<hbm>>) dst(%dma_wait3A_351 : memref<32x64xf32, #tpu.memory_space<vmem>>)
      }
      %add3A_187 = arith.constant 2 : i32
      %add3A_188 = arith.addi %mul3A_124, %add3A_187 : i32
      %lt3A_189 = arith.constant 128 : i32
      %lt3A_190 = arith.cmpi slt, %add3A_188, %lt3A_189 : i32
      %convert_element_type3A_191 = arith.extui %lt3A_190 : i1 to i32
      %cond3A_192 = arith.constant 0 : i32
      %cond3A_193 = arith.cmpi ne, %convert_element_type3A_191, %cond3A_192 : i32
      scf.if %cond3A_193 {
        %add3A_344 = arith.constant 2 : i32
        %add3A_345 = arith.addi %mul3A_124, %add3A_344 : i32
        %add3A_346 = arith.addi %mul3A_2, %add3A_345 : i32
        %dma_start3A_347 = arith.constant 0 : i32
        %dma_start3A_348 = arith.constant 0 : i32
        %dma_start3A_349 = arith.constant 0 : i32
        %dma_start3A_350 = tpu.memref_slice %arg6[%dma_start3A_347, %dma_start3A_348, %dma_start3A_349] : memref<2x8x32xi32, #tpu.memory_space<vmem>> -> memref<1x8x32xi32, #tpu.memory_space<vmem>>
        %dma_start3A_351 = tpu.memref_squeeze %dma_start3A_350 : memref<1x8x32xi32, #tpu.memory_space<vmem>> -> memref<8x32xi32, #tpu.memory_space<vmem>>
        %dma_start3A_352 = arith.constant 0 : i32
        %dma_start3A_353 = arith.constant 0 : i32
        %dma_start3A_354 = tpu.memref_slice %arg2[%add3A_346, %dma_start3A_352, %dma_start3A_353] : memref<4096x8x32xi32, #tpu.memory_space<hbm>> -> memref<1x8x32xi32, #tpu.memory_space<hbm>>
        %dma_start3A_355 = tpu.memref_squeeze %dma_start3A_354 : memref<1x8x32xi32, #tpu.memory_space<hbm>> -> memref<8x32xi32, #tpu.memory_space<hbm>>
        %dma_start3A_356 = arith.constant 0 : i32
        %dma_start3A_357 = arith.constant 0 : i32
        %dma_start3A_358 = tpu.memref_slice %arg6[%dma_start3A_347, %dma_start3A_356, %dma_start3A_357] : memref<2x8x32xi32, #tpu.memory_space<vmem>> -> memref<1x8x32xi32, #tpu.memory_space<vmem>>
        %dma_start3A_359 = tpu.memref_squeeze %dma_start3A_358 : memref<1x8x32xi32, #tpu.memory_space<vmem>> -> memref<8x32xi32, #tpu.memory_space<vmem>>
        %dma_start3A_360 = arith.constant 0 : i32
        %dma_start3A_361 = arith.constant 0 : i32
        %dma_start3A_362 = tpu.memref_slice %arg2[%add3A_346, %dma_start3A_360, %dma_start3A_361] : memref<4096x8x32xi32, #tpu.memory_space<hbm>> -> memref<1x8x32xi32, #tpu.memory_space<hbm>>
        %dma_start3A_363 = tpu.memref_squeeze %dma_start3A_362 : memref<1x8x32xi32, #tpu.memory_space<hbm>> -> memref<8x32xi32, #tpu.memory_space<hbm>>
        tpu.enqueue_dma source(%dma_start3A_363 : memref<8x32xi32, #tpu.memory_space<hbm>>) target(%dma_start3A_359 : memref<8x32xi32, #tpu.memory_space<vmem>>) target_semaphore(%arg10 : memref<!tpu.dma_semaphore, #tpu.memory_space<semaphore_mem>>)
      } else {
      }
      %ge3A = arith.constant 2 : i32
      %ge3A_194 = arith.cmpi sge, %mul3A_124, %ge3A : i32
      %convert_element_type3A_195 = arith.extui %ge3A_194 : i1 to i32
      %cond3A_196 = arith.constant 0 : i32
      %cond3A_197 = arith.cmpi ne, %convert_element_type3A_195, %cond3A_196 : i32
      scf.if %cond3A_197 {
        %sub3A_344 = arith.constant 2 : i32
        %sub3A_345 = arith.subi %mul3A_124, %sub3A_344 : i32
        %add3A_346 = arith.addi %mul3A_2, %sub3A_345 : i32
        %mul3A_347 = arith.constant 3200 : i32
        %mul3A_348 = arith.muli %add3A_346, %mul3A_347 : i32
        %dma_wait3A_349 = arith.constant 0 : i32
        %dma_wait3A_350 = arith.constant 0 : i32
        %dma_wait3A_351 = tpu.memref_slice %arg8[%dma_wait3A_349, %dma_wait3A_350] : memref<2x3200xf32, #tpu.memory_space<vmem>> -> memref<1x3200xf32, #tpu.memory_space<vmem>>
        %dma_wait3A_352 = tpu.memref_squeeze %dma_wait3A_351 : memref<1x3200xf32, #tpu.memory_space<vmem>> -> memref<3200xf32, #tpu.memory_space<vmem>>
        %dma_wait3A_353 = tpu.memref_slice %arg5[%mul3A_348] : memref<13107200xf32, #tpu.memory_space<hbm>> -> memref<3200xf32, #tpu.memory_space<hbm>>
        %dma_wait3A_354 = tpu.memref_slice %arg5[%mul3A_348] : memref<13107200xf32, #tpu.memory_space<hbm>> -> memref<3200xf32, #tpu.memory_space<hbm>>
        %dma_wait3A_355 = arith.constant 0 : i32
        %dma_wait3A_356 = tpu.memref_slice %arg8[%dma_wait3A_349, %dma_wait3A_355] : memref<2x3200xf32, #tpu.memory_space<vmem>> -> memref<1x3200xf32, #tpu.memory_space<vmem>>
        %dma_wait3A_357 = tpu.memref_squeeze %dma_wait3A_356 : memref<1x3200xf32, #tpu.memory_space<vmem>> -> memref<3200xf32, #tpu.memory_space<vmem>>
        tpu.wait_dma2 semaphore(%arg14 : memref<!tpu.dma_semaphore, #tpu.memory_space<semaphore_mem>>) src(%dma_wait3A_357 : memref<3200xf32, #tpu.memory_space<vmem>>) dst(%dma_wait3A_354 : memref<3200xf32, #tpu.memory_space<hbm>>)
      } else {
      }
      %while3A_198 = arith.constant 0 : i32
      %while3A_199 = arith.subi %squeeze3A_131, %while3A_198 : i32
      %while3A_200 = arith.addi %while3A_198, %while3A_199 : i32
      %while3A_201 = arith.constant 1 : i32
      %while3A_202 = arith.divsi %while3A_199, %while3A_201 : i32
      %while3A_203 = arith.muli %while3A_202, %while3A_201 : i32
      %while3A_204 = arith.addi %while3A_198, %while3A_203 : i32
      %while3A_205 = arith.constant 1 : i32
      scf.for %while3A_344 = %while3A_198 to %while3A_204 step %while3A_205  : i32 {
        %mul3A_345 = arith.constant 5 : i32
        %mul3A_346 = arith.muli %while3A_344, %mul3A_345 : i32
        %get3A = arith.constant 0 : i32
        %get3A_347 = arith.index_cast %get3A : i32 to index
        %get3A_348 = arith.index_cast %mul3A_346 : i32 to index
        %get3A_349 = arith.constant 0 : index
        %get3A_350 = tpu.vector_load %arg7[%get3A_347, %get3A_348, %get3A_349] {strides = array<i32>} : memref<2x256x64xf32, #tpu.memory_space<vmem>>, vector<16xf32>,
        %add3A_351 = arith.constant 1 : i32
        %add3A_352 = arith.addi %mul3A_346, %add3A_351 : i32
        %get3A_353 = arith.constant 0 : i32
        %get3A_354 = arith.index_cast %get3A_353 : i32 to index
        %get3A_355 = arith.index_cast %add3A_352 : i32 to index
        %get3A_356 = arith.constant 0 : index
        %get3A_357 = tpu.vector_load %arg7[%get3A_354, %get3A_355, %get3A_356] {strides = array<i32>} : memref<2x256x64xf32, #tpu.memory_space<vmem>>, vector<16xf32>,
        %add3A_358 = arith.addf %get3A_350, %get3A_357 : vector<16xf32>
        %add3A_359 = arith.constant 2 : i32
        %add3A_360 = arith.addi %mul3A_346, %add3A_359 : i32
        %get3A_361 = arith.constant 0 : i32
        %get3A_362 = arith.index_cast %get3A_361 : i32 to index
        %get3A_363 = arith.index_cast %add3A_360 : i32 to index
        %get3A_364 = arith.constant 0 : index
        %get3A_365 = tpu.vector_load %arg7[%get3A_362, %get3A_363, %get3A_364] {strides = array<i32>} : memref<2x256x64xf32, #tpu.memory_space<vmem>>, vector<16xf32>,
        %add3A_366 = arith.addf %add3A_358, %get3A_365 : vector<16xf32>
        %add3A_367 = arith.constant 3 : i32
        %add3A_368 = arith.addi %mul3A_346, %add3A_367 : i32
        %get3A_369 = arith.constant 0 : i32
        %get3A_370 = arith.index_cast %get3A_369 : i32 to index
        %get3A_371 = arith.index_cast %add3A_368 : i32 to index
        %get3A_372 = arith.constant 0 : index
        %get3A_373 = tpu.vector_load %arg7[%get3A_370, %get3A_371, %get3A_372] {strides = array<i32>} : memref<2x256x64xf32, #tpu.memory_space<vmem>>, vector<16xf32>,
        %add3A_374 = arith.addf %add3A_366, %get3A_373 : vector<16xf32>
        %add3A_375 = arith.constant 4 : i32
        %add3A_376 = arith.addi %mul3A_346, %add3A_375 : i32
        %get3A_377 = arith.constant 0 : i32
        %get3A_378 = arith.index_cast %get3A_377 : i32 to index
        %get3A_379 = arith.index_cast %add3A_376 : i32 to index
        %get3A_380 = arith.constant 0 : index
        %get3A_381 = tpu.vector_load %arg7[%get3A_378, %get3A_379, %get3A_380] {strides = array<i32>} : memref<2x256x64xf32, #tpu.memory_space<vmem>>, vector<16xf32>,
        %add3A_382 = arith.addf %add3A_374, %get3A_381 : vector<16xf32>
        %mul3A_383 = arith.constant 64 : i32
        %mul3A_384 = arith.muli %while3A_344, %mul3A_383 : i32
        %add3A_385 = arith.constant 0 : i32
        %add3A_386 = arith.addi %mul3A_384, %add3A_385 : i32
        %swap3A = arith.constant 0 : i32
        %swap3A_387 = arith.index_cast %swap3A : i32 to index
        %swap3A_388 = arith.index_cast %add3A_386 : i32 to index
        %swap3A_389 = tpu.vector_load %arg8[%swap3A_387, %swap3A_388] {strides = array<i32>} : memref<2x3200xf32, #tpu.memory_space<vmem>>, vector<16xf32>,
        tpu.vector_store %arg8[%swap3A_387, %swap3A_388], %add3A_382 {strides = array<i32>} : memref<2x3200xf32, #tpu.memory_space<vmem>>, vector<16xf32>,
        %get3A_390 = arith.constant 0 : i32
        %get3A_391 = arith.index_cast %get3A_390 : i32 to index
        %get3A_392 = arith.index_cast %mul3A_346 : i32 to index
        %get3A_393 = arith.constant 16 : index
        %get3A_394 = tpu.vector_load %arg7[%get3A_391, %get3A_392, %get3A_393] {strides = array<i32>} : memref<2x256x64xf32, #tpu.memory_space<vmem>>, vector<16xf32>,
        %add3A_395 = arith.constant 1 : i32
        %add3A_396 = arith.addi %mul3A_346, %add3A_395 : i32
        %get3A_397 = arith.constant 0 : i32
        %get3A_398 = arith.index_cast %get3A_397 : i32 to index
        %get3A_399 = arith.index_cast %add3A_396 : i32 to index
        %get3A_400 = arith.constant 16 : index
        %get3A_401 = tpu.vector_load %arg7[%get3A_398, %get3A_399, %get3A_400] {strides = array<i32>} : memref<2x256x64xf32, #tpu.memory_space<vmem>>, vector<16xf32>,
        %add3A_402 = arith.addf %get3A_394, %get3A_401 : vector<16xf32>
        %add3A_403 = arith.constant 2 : i32
        %add3A_404 = arith.addi %mul3A_346, %add3A_403 : i32
        %get3A_405 = arith.constant 0 : i32
        %get3A_406 = arith.index_cast %get3A_405 : i32 to index
        %get3A_407 = arith.index_cast %add3A_404 : i32 to index
        %get3A_408 = arith.constant 16 : index
        %get3A_409 = tpu.vector_load %arg7[%get3A_406, %get3A_407, %get3A_408] {strides = array<i32>} : memref<2x256x64xf32, #tpu.memory_space<vmem>>, vector<16xf32>,
        %add3A_410 = arith.addf %add3A_402, %get3A_409 : vector<16xf32>
        %add3A_411 = arith.constant 3 : i32
        %add3A_412 = arith.addi %mul3A_346, %add3A_411 : i32
        %get3A_413 = arith.constant 0 : i32
        %get3A_414 = arith.index_cast %get3A_413 : i32 to index
        %get3A_415 = arith.index_cast %add3A_412 : i32 to index
        %get3A_416 = arith.constant 16 : index
        %get3A_417 = tpu.vector_load %arg7[%get3A_414, %get3A_415, %get3A_416] {strides = array<i32>} : memref<2x256x64xf32, #tpu.memory_space<vmem>>, vector<16xf32>,
        %add3A_418 = arith.addf %add3A_410, %get3A_417 : vector<16xf32>
        %add3A_419 = arith.constant 4 : i32
        %add3A_420 = arith.addi %mul3A_346, %add3A_419 : i32
        %get3A_421 = arith.constant 0 : i32
        %get3A_422 = arith.index_cast %get3A_421 : i32 to index
        %get3A_423 = arith.index_cast %add3A_420 : i32 to index
        %get3A_424 = arith.constant 16 : index
        %get3A_425 = tpu.vector_load %arg7[%get3A_422, %get3A_423, %get3A_424] {strides = array<i32>} : memref<2x256x64xf32, #tpu.memory_space<vmem>>, vector<16xf32>,
        %add3A_426 = arith.addf %add3A_418, %get3A_425 : vector<16xf32>
        %mul3A_427 = arith.constant 64 : i32
        %mul3A_428 = arith.muli %while3A_344, %mul3A_427 : i32
        %add3A_429 = arith.constant 16 : i32
        %add3A_430 = arith.addi %mul3A_428, %add3A_429 : i32
        %swap3A_431 = arith.constant 0 : i32
        %swap3A_432 = arith.index_cast %swap3A_431 : i32 to index
        %swap3A_433 = arith.index_cast %add3A_430 : i32 to index
        %swap3A_434 = tpu.vector_load %arg8[%swap3A_432, %swap3A_433] {strides = array<i32>} : memref<2x3200xf32, #tpu.memory_space<vmem>>, vector<16xf32>,
        tpu.vector_store %arg8[%swap3A_432, %swap3A_433], %add3A_426 {strides = array<i32>} : memref<2x3200xf32, #tpu.memory_space<vmem>>, vector<16xf32>,
        %get3A_435 = arith.constant 0 : i32
        %get3A_436 = arith.index_cast %get3A_435 : i32 to index
        %get3A_437 = arith.index_cast %mul3A_346 : i32 to index
        %get3A_438 = arith.constant 32 : index
        %get3A_439 = tpu.vector_load %arg7[%get3A_436, %get3A_437, %get3A_438] {strides = array<i32>} : memref<2x256x64xf32, #tpu.memory_space<vmem>>, vector<16xf32>,
        %add3A_440 = arith.constant 1 : i32
        %add3A_441 = arith.addi %mul3A_346, %add3A_440 : i32
        %get3A_442 = arith.constant 0 : i32
        %get3A_443 = arith.index_cast %get3A_442 : i32 to index
        %get3A_444 = arith.index_cast %add3A_441 : i32 to index
        %get3A_445 = arith.constant 32 : index
        %get3A_446 = tpu.vector_load %arg7[%get3A_443, %get3A_444, %get3A_445] {strides = array<i32>} : memref<2x256x64xf32, #tpu.memory_space<vmem>>, vector<16xf32>,
        %add3A_447 = arith.addf %get3A_439, %get3A_446 : vector<16xf32>
        %add3A_448 = arith.constant 2 : i32
        %add3A_449 = arith.addi %mul3A_346, %add3A_448 : i32
        %get3A_450 = arith.constant 0 : i32
        %get3A_451 = arith.index_cast %get3A_450 : i32 to index
        %get3A_452 = arith.index_cast %add3A_449 : i32 to index
        %get3A_453 = arith.constant 32 : index
        %get3A_454 = tpu.vector_load %arg7[%get3A_451, %get3A_452, %get3A_453] {strides = array<i32>} : memref<2x256x64xf32, #tpu.memory_space<vmem>>, vector<16xf32>,
        %add3A_455 = arith.addf %add3A_447, %get3A_454 : vector<16xf32>
        %add3A_456 = arith.constant 3 : i32
        %add3A_457 = arith.addi %mul3A_346, %add3A_456 : i32
        %get3A_458 = arith.constant 0 : i32
        %get3A_459 = arith.index_cast %get3A_458 : i32 to index
        %get3A_460 = arith.index_cast %add3A_457 : i32 to index
        %get3A_461 = arith.constant 32 : index
        %get3A_462 = tpu.vector_load %arg7[%get3A_459, %get3A_460, %get3A_461] {strides = array<i32>} : memref<2x256x64xf32, #tpu.memory_space<vmem>>, vector<16xf32>,
        %add3A_463 = arith.addf %add3A_455, %get3A_462 : vector<16xf32>
        %add3A_464 = arith.constant 4 : i32
        %add3A_465 = arith.addi %mul3A_346, %add3A_464 : i32
        %get3A_466 = arith.constant 0 : i32
        %get3A_467 = arith.index_cast %get3A_466 : i32 to index
        %get3A_468 = arith.index_cast %add3A_465 : i32 to index
        %get3A_469 = arith.constant 32 : index
        %get3A_470 = tpu.vector_load %arg7[%get3A_467, %get3A_468, %get3A_469] {strides = array<i32>} : memref<2x256x64xf32, #tpu.memory_space<vmem>>, vector<16xf32>,
        %add3A_471 = arith.addf %add3A_463, %get3A_470 : vector<16xf32>
        %mul3A_472 = arith.constant 64 : i32
        %mul3A_473 = arith.muli %while3A_344, %mul3A_472 : i32
        %add3A_474 = arith.constant 32 : i32
        %add3A_475 = arith.addi %mul3A_473, %add3A_474 : i32
        %swap3A_476 = arith.constant 0 : i32
        %swap3A_477 = arith.index_cast %swap3A_476 : i32 to index
        %swap3A_478 = arith.index_cast %add3A_475 : i32 to index
        %swap3A_479 = tpu.vector_load %arg8[%swap3A_477, %swap3A_478] {strides = array<i32>} : memref<2x3200xf32, #tpu.memory_space<vmem>>, vector<16xf32>,
        tpu.vector_store %arg8[%swap3A_477, %swap3A_478], %add3A_471 {strides = array<i32>} : memref<2x3200xf32, #tpu.memory_space<vmem>>, vector<16xf32>,
        %get3A_480 = arith.constant 0 : i32
        %get3A_481 = arith.index_cast %get3A_480 : i32 to index
        %get3A_482 = arith.index_cast %mul3A_346 : i32 to index
        %get3A_483 = arith.constant 48 : index
        %get3A_484 = tpu.vector_load %arg7[%get3A_481, %get3A_482, %get3A_483] {strides = array<i32>} : memref<2x256x64xf32, #tpu.memory_space<vmem>>, vector<16xf32>,
        %add3A_485 = arith.constant 1 : i32
        %add3A_486 = arith.addi %mul3A_346, %add3A_485 : i32
        %get3A_487 = arith.constant 0 : i32
        %get3A_488 = arith.index_cast %get3A_487 : i32 to index
        %get3A_489 = arith.index_cast %add3A_486 : i32 to index
        %get3A_490 = arith.constant 48 : index
        %get3A_491 = tpu.vector_load %arg7[%get3A_488, %get3A_489, %get3A_490] {strides = array<i32>} : memref<2x256x64xf32, #tpu.memory_space<vmem>>, vector<16xf32>,
        %add3A_492 = arith.addf %get3A_484, %get3A_491 : vector<16xf32>
        %add3A_493 = arith.constant 2 : i32
        %add3A_494 = arith.addi %mul3A_346, %add3A_493 : i32
        %get3A_495 = arith.constant 0 : i32
        %get3A_496 = arith.index_cast %get3A_495 : i32 to index
        %get3A_497 = arith.index_cast %add3A_494 : i32 to index
        %get3A_498 = arith.constant 48 : index
        %get3A_499 = tpu.vector_load %arg7[%get3A_496, %get3A_497, %get3A_498] {strides = array<i32>} : memref<2x256x64xf32, #tpu.memory_space<vmem>>, vector<16xf32>,
        %add3A_500 = arith.addf %add3A_492, %get3A_499 : vector<16xf32>
        %add3A_501 = arith.constant 3 : i32
        %add3A_502 = arith.addi %mul3A_346, %add3A_501 : i32
        %get3A_503 = arith.constant 0 : i32
        %get3A_504 = arith.index_cast %get3A_503 : i32 to index
        %get3A_505 = arith.index_cast %add3A_502 : i32 to index
        %get3A_506 = arith.constant 48 : index
        %get3A_507 = tpu.vector_load %arg7[%get3A_504, %get3A_505, %get3A_506] {strides = array<i32>} : memref<2x256x64xf32, #tpu.memory_space<vmem>>, vector<16xf32>,
        %add3A_508 = arith.addf %add3A_500, %get3A_507 : vector<16xf32>
        %add3A_509 = arith.constant 4 : i32
        %add3A_510 = arith.addi %mul3A_346, %add3A_509 : i32
        %get3A_511 = arith.constant 0 : i32
        %get3A_512 = arith.index_cast %get3A_511 : i32 to index
        %get3A_513 = arith.index_cast %add3A_510 : i32 to index
        %get3A_514 = arith.constant 48 : index
        %get3A_515 = tpu.vector_load %arg7[%get3A_512, %get3A_513, %get3A_514] {strides = array<i32>} : memref<2x256x64xf32, #tpu.memory_space<vmem>>, vector<16xf32>,
        %add3A_516 = arith.addf %add3A_508, %get3A_515 : vector<16xf32>
        %mul3A_517 = arith.constant 64 : i32
        %mul3A_518 = arith.muli %while3A_344, %mul3A_517 : i32
        %add3A_519 = arith.constant 48 : i32
        %add3A_520 = arith.addi %mul3A_518, %add3A_519 : i32
        %swap3A_521 = arith.constant 0 : i32
        %swap3A_522 = arith.index_cast %swap3A_521 : i32 to index
        %swap3A_523 = arith.index_cast %add3A_520 : i32 to index
        %swap3A_524 = tpu.vector_load %arg8[%swap3A_522, %swap3A_523] {strides = array<i32>} : memref<2x3200xf32, #tpu.memory_space<vmem>>, vector<16xf32>,
        tpu.vector_store %arg8[%swap3A_522, %swap3A_523], %add3A_516 {strides = array<i32>} : memref<2x3200xf32, #tpu.memory_space<vmem>>, vector<16xf32>,
      }
      %while3A_206 = arith.constant 1 : i32
      scf.for %while3A_344 = %while3A_204 to %while3A_200 step %while3A_206  : i32 {
        %mul3A_345 = arith.constant 5 : i32
        %mul3A_346 = arith.muli %while3A_344, %mul3A_345 : i32
        %get3A = arith.constant 0 : i32
        %get3A_347 = arith.index_cast %get3A : i32 to index
        %get3A_348 = arith.index_cast %mul3A_346 : i32 to index
        %get3A_349 = arith.constant 0 : index
        %get3A_350 = tpu.vector_load %arg7[%get3A_347, %get3A_348, %get3A_349] {strides = array<i32>} : memref<2x256x64xf32, #tpu.memory_space<vmem>>, vector<16xf32>,
        %add3A_351 = arith.constant 1 : i32
        %add3A_352 = arith.addi %mul3A_346, %add3A_351 : i32
        %get3A_353 = arith.constant 0 : i32
        %get3A_354 = arith.index_cast %get3A_353 : i32 to index
        %get3A_355 = arith.index_cast %add3A_352 : i32 to index
        %get3A_356 = arith.constant 0 : index
        %get3A_357 = tpu.vector_load %arg7[%get3A_354, %get3A_355, %get3A_356] {strides = array<i32>} : memref<2x256x64xf32, #tpu.memory_space<vmem>>, vector<16xf32>,
        %add3A_358 = arith.addf %get3A_350, %get3A_357 : vector<16xf32>
        %add3A_359 = arith.constant 2 : i32
        %add3A_360 = arith.addi %mul3A_346, %add3A_359 : i32
        %get3A_361 = arith.constant 0 : i32
        %get3A_362 = arith.index_cast %get3A_361 : i32 to index
        %get3A_363 = arith.index_cast %add3A_360 : i32 to index
        %get3A_364 = arith.constant 0 : index
        %get3A_365 = tpu.vector_load %arg7[%get3A_362, %get3A_363, %get3A_364] {strides = array<i32>} : memref<2x256x64xf32, #tpu.memory_space<vmem>>, vector<16xf32>,
        %add3A_366 = arith.addf %add3A_358, %get3A_365 : vector<16xf32>
        %add3A_367 = arith.constant 3 : i32
        %add3A_368 = arith.addi %mul3A_346, %add3A_367 : i32
        %get3A_369 = arith.constant 0 : i32
        %get3A_370 = arith.index_cast %get3A_369 : i32 to index
        %get3A_371 = arith.index_cast %add3A_368 : i32 to index
        %get3A_372 = arith.constant 0 : index
        %get3A_373 = tpu.vector_load %arg7[%get3A_370, %get3A_371, %get3A_372] {strides = array<i32>} : memref<2x256x64xf32, #tpu.memory_space<vmem>>, vector<16xf32>,
        %add3A_374 = arith.addf %add3A_366, %get3A_373 : vector<16xf32>
        %add3A_375 = arith.constant 4 : i32
        %add3A_376 = arith.addi %mul3A_346, %add3A_375 : i32
        %get3A_377 = arith.constant 0 : i32
        %get3A_378 = arith.index_cast %get3A_377 : i32 to index
        %get3A_379 = arith.index_cast %add3A_376 : i32 to index
        %get3A_380 = arith.constant 0 : index
        %get3A_381 = tpu.vector_load %arg7[%get3A_378, %get3A_379, %get3A_380] {strides = array<i32>} : memref<2x256x64xf32, #tpu.memory_space<vmem>>, vector<16xf32>,
        %add3A_382 = arith.addf %add3A_374, %get3A_381 : vector<16xf32>
        %mul3A_383 = arith.constant 64 : i32
        %mul3A_384 = arith.muli %while3A_344, %mul3A_383 : i32
        %add3A_385 = arith.constant 0 : i32
        %add3A_386 = arith.addi %mul3A_384, %add3A_385 : i32
        %swap3A = arith.constant 0 : i32
        %swap3A_387 = arith.index_cast %swap3A : i32 to index
        %swap3A_388 = arith.index_cast %add3A_386 : i32 to index
        %swap3A_389 = tpu.vector_load %arg8[%swap3A_387, %swap3A_388] {strides = array<i32>} : memref<2x3200xf32, #tpu.memory_space<vmem>>, vector<16xf32>,
        tpu.vector_store %arg8[%swap3A_387, %swap3A_388], %add3A_382 {strides = array<i32>} : memref<2x3200xf32, #tpu.memory_space<vmem>>, vector<16xf32>,
        %get3A_390 = arith.constant 0 : i32
        %get3A_391 = arith.index_cast %get3A_390 : i32 to index
        %get3A_392 = arith.index_cast %mul3A_346 : i32 to index
        %get3A_393 = arith.constant 16 : index
        %get3A_394 = tpu.vector_load %arg7[%get3A_391, %get3A_392, %get3A_393] {strides = array<i32>} : memref<2x256x64xf32, #tpu.memory_space<vmem>>, vector<16xf32>,
        %add3A_395 = arith.constant 1 : i32
        %add3A_396 = arith.addi %mul3A_346, %add3A_395 : i32
        %get3A_397 = arith.constant 0 : i32
        %get3A_398 = arith.index_cast %get3A_397 : i32 to index
        %get3A_399 = arith.index_cast %add3A_396 : i32 to index
        %get3A_400 = arith.constant 16 : index
        %get3A_401 = tpu.vector_load %arg7[%get3A_398, %get3A_399, %get3A_400] {strides = array<i32>} : memref<2x256x64xf32, #tpu.memory_space<vmem>>, vector<16xf32>,
        %add3A_402 = arith.addf %get3A_394, %get3A_401 : vector<16xf32>
        %add3A_403 = arith.constant 2 : i32
        %add3A_404 = arith.addi %mul3A_346, %add3A_403 : i32
        %get3A_405 = arith.constant 0 : i32
        %get3A_406 = arith.index_cast %get3A_405 : i32 to index
        %get3A_407 = arith.index_cast %add3A_404 : i32 to index
        %get3A_408 = arith.constant 16 : index
        %get3A_409 = tpu.vector_load %arg7[%get3A_406, %get3A_407, %get3A_408] {strides = array<i32>} : memref<2x256x64xf32, #tpu.memory_space<vmem>>, vector<16xf32>,
        %add3A_410 = arith.addf %add3A_402, %get3A_409 : vector<16xf32>
        %add3A_411 = arith.constant 3 : i32
        %add3A_412 = arith.addi %mul3A_346, %add3A_411 : i32
        %get3A_413 = arith.constant 0 : i32
        %get3A_414 = arith.index_cast %get3A_413 : i32 to index
        %get3A_415 = arith.index_cast %add3A_412 : i32 to index
        %get3A_416 = arith.constant 16 : index
        %get3A_417 = tpu.vector_load %arg7[%get3A_414, %get3A_415, %get3A_416] {strides = array<i32>} : memref<2x256x64xf32, #tpu.memory_space<vmem>>, vector<16xf32>,
        %add3A_418 = arith.addf %add3A_410, %get3A_417 : vector<16xf32>
        %add3A_419 = arith.constant 4 : i32
        %add3A_420 = arith.addi %mul3A_346, %add3A_419 : i32
        %get3A_421 = arith.constant 0 : i32
        %get3A_422 = arith.index_cast %get3A_421 : i32 to index
        %get3A_423 = arith.index_cast %add3A_420 : i32 to index
        %get3A_424 = arith.constant 16 : index
        %get3A_425 = tpu.vector_load %arg7[%get3A_422, %get3A_423, %get3A_424] {strides = array<i32>} : memref<2x256x64xf32, #tpu.memory_space<vmem>>, vector<16xf32>,
        %add3A_426 = arith.addf %add3A_418, %get3A_425 : vector<16xf32>
        %mul3A_427 = arith.constant 64 : i32
        %mul3A_428 = arith.muli %while3A_344, %mul3A_427 : i32
        %add3A_429 = arith.constant 16 : i32
        %add3A_430 = arith.addi %mul3A_428, %add3A_429 : i32
        %swap3A_431 = arith.constant 0 : i32
        %swap3A_432 = arith.index_cast %swap3A_431 : i32 to index
        %swap3A_433 = arith.index_cast %add3A_430 : i32 to index
        %swap3A_434 = tpu.vector_load %arg8[%swap3A_432, %swap3A_433] {strides = array<i32>} : memref<2x3200xf32, #tpu.memory_space<vmem>>, vector<16xf32>,
        tpu.vector_store %arg8[%swap3A_432, %swap3A_433], %add3A_426 {strides = array<i32>} : memref<2x3200xf32, #tpu.memory_space<vmem>>, vector<16xf32>,
        %get3A_435 = arith.constant 0 : i32
        %get3A_436 = arith.index_cast %get3A_435 : i32 to index
        %get3A_437 = arith.index_cast %mul3A_346 : i32 to index
        %get3A_438 = arith.constant 32 : index
        %get3A_439 = tpu.vector_load %arg7[%get3A_436, %get3A_437, %get3A_438] {strides = array<i32>} : memref<2x256x64xf32, #tpu.memory_space<vmem>>, vector<16xf32>,
        %add3A_440 = arith.constant 1 : i32
        %add3A_441 = arith.addi %mul3A_346, %add3A_440 : i32
        %get3A_442 = arith.constant 0 : i32
        %get3A_443 = arith.index_cast %get3A_442 : i32 to index
        %get3A_444 = arith.index_cast %add3A_441 : i32 to index
        %get3A_445 = arith.constant 32 : index
        %get3A_446 = tpu.vector_load %arg7[%get3A_443, %get3A_444, %get3A_445] {strides = array<i32>} : memref<2x256x64xf32, #tpu.memory_space<vmem>>, vector<16xf32>,
        %add3A_447 = arith.addf %get3A_439, %get3A_446 : vector<16xf32>
        %add3A_448 = arith.constant 2 : i32
        %add3A_449 = arith.addi %mul3A_346, %add3A_448 : i32
        %get3A_450 = arith.constant 0 : i32
        %get3A_451 = arith.index_cast %get3A_450 : i32 to index
        %get3A_452 = arith.index_cast %add3A_449 : i32 to index
        %get3A_453 = arith.constant 32 : index
        %get3A_454 = tpu.vector_load %arg7[%get3A_451, %get3A_452, %get3A_453] {strides = array<i32>} : memref<2x256x64xf32, #tpu.memory_space<vmem>>, vector<16xf32>,
        %add3A_455 = arith.addf %add3A_447, %get3A_454 : vector<16xf32>
        %add3A_456 = arith.constant 3 : i32
        %add3A_457 = arith.addi %mul3A_346, %add3A_456 : i32
        %get3A_458 = arith.constant 0 : i32
        %get3A_459 = arith.index_cast %get3A_458 : i32 to index
        %get3A_460 = arith.index_cast %add3A_457 : i32 to index
        %get3A_461 = arith.constant 32 : index
        %get3A_462 = tpu.vector_load %arg7[%get3A_459, %get3A_460, %get3A_461] {strides = array<i32>} : memref<2x256x64xf32, #tpu.memory_space<vmem>>, vector<16xf32>,
        %add3A_463 = arith.addf %add3A_455, %get3A_462 : vector<16xf32>
        %add3A_464 = arith.constant 4 : i32
        %add3A_465 = arith.addi %mul3A_346, %add3A_464 : i32
        %get3A_466 = arith.constant 0 : i32
        %get3A_467 = arith.index_cast %get3A_466 : i32 to index
        %get3A_468 = arith.index_cast %add3A_465 : i32 to index
        %get3A_469 = arith.constant 32 : index
        %get3A_470 = tpu.vector_load %arg7[%get3A_467, %get3A_468, %get3A_469] {strides = array<i32>} : memref<2x256x64xf32, #tpu.memory_space<vmem>>, vector<16xf32>,
        %add3A_471 = arith.addf %add3A_463, %get3A_470 : vector<16xf32>
        %mul3A_472 = arith.constant 64 : i32
        %mul3A_473 = arith.muli %while3A_344, %mul3A_472 : i32
        %add3A_474 = arith.constant 32 : i32
        %add3A_475 = arith.addi %mul3A_473, %add3A_474 : i32
        %swap3A_476 = arith.constant 0 : i32
        %swap3A_477 = arith.index_cast %swap3A_476 : i32 to index
        %swap3A_478 = arith.index_cast %add3A_475 : i32 to index
        %swap3A_479 = tpu.vector_load %arg8[%swap3A_477, %swap3A_478] {strides = array<i32>} : memref<2x3200xf32, #tpu.memory_space<vmem>>, vector<16xf32>,
        tpu.vector_store %arg8[%swap3A_477, %swap3A_478], %add3A_471 {strides = array<i32>} : memref<2x3200xf32, #tpu.memory_space<vmem>>, vector<16xf32>,
        %get3A_480 = arith.constant 0 : i32
        %get3A_481 = arith.index_cast %get3A_480 : i32 to index
        %get3A_482 = arith.index_cast %mul3A_346 : i32 to index
        %get3A_483 = arith.constant 48 : index
        %get3A_484 = tpu.vector_load %arg7[%get3A_481, %get3A_482, %get3A_483] {strides = array<i32>} : memref<2x256x64xf32, #tpu.memory_space<vmem>>, vector<16xf32>,
        %add3A_485 = arith.constant 1 : i32
        %add3A_486 = arith.addi %mul3A_346, %add3A_485 : i32
        %get3A_487 = arith.constant 0 : i32
        %get3A_488 = arith.index_cast %get3A_487 : i32 to index
        %get3A_489 = arith.index_cast %add3A_486 : i32 to index
        %get3A_490 = arith.constant 48 : index
        %get3A_491 = tpu.vector_load %arg7[%get3A_488, %get3A_489, %get3A_490] {strides = array<i32>} : memref<2x256x64xf32, #tpu.memory_space<vmem>>, vector<16xf32>,
        %add3A_492 = arith.addf %get3A_484, %get3A_491 : vector<16xf32>
        %add3A_493 = arith.constant 2 : i32
        %add3A_494 = arith.addi %mul3A_346, %add3A_493 : i32
        %get3A_495 = arith.constant 0 : i32
        %get3A_496 = arith.index_cast %get3A_495 : i32 to index
        %get3A_497 = arith.index_cast %add3A_494 : i32 to index
        %get3A_498 = arith.constant 48 : index
        %get3A_499 = tpu.vector_load %arg7[%get3A_496, %get3A_497, %get3A_498] {strides = array<i32>} : memref<2x256x64xf32, #tpu.memory_space<vmem>>, vector<16xf32>,
        %add3A_500 = arith.addf %add3A_492, %get3A_499 : vector<16xf32>
        %add3A_501 = arith.constant 3 : i32
        %add3A_502 = arith.addi %mul3A_346, %add3A_501 : i32
        %get3A_503 = arith.constant 0 : i32
        %get3A_504 = arith.index_cast %get3A_503 : i32 to index
        %get3A_505 = arith.index_cast %add3A_502 : i32 to index
        %get3A_506 = arith.constant 48 : index
        %get3A_507 = tpu.vector_load %arg7[%get3A_504, %get3A_505, %get3A_506] {strides = array<i32>} : memref<2x256x64xf32, #tpu.memory_space<vmem>>, vector<16xf32>,
        %add3A_508 = arith.addf %add3A_500, %get3A_507 : vector<16xf32>
        %add3A_509 = arith.constant 4 : i32
        %add3A_510 = arith.addi %mul3A_346, %add3A_509 : i32
        %get3A_511 = arith.constant 0 : i32
        %get3A_512 = arith.index_cast %get3A_511 : i32 to index
        %get3A_513 = arith.index_cast %add3A_510 : i32 to index
        %get3A_514 = arith.constant 48 : index
        %get3A_515 = tpu.vector_load %arg7[%get3A_512, %get3A_513, %get3A_514] {strides = array<i32>} : memref<2x256x64xf32, #tpu.memory_space<vmem>>, vector<16xf32>,
        %add3A_516 = arith.addf %add3A_508, %get3A_515 : vector<16xf32>
        %mul3A_517 = arith.constant 64 : i32
        %mul3A_518 = arith.muli %while3A_344, %mul3A_517 : i32
        %add3A_519 = arith.constant 48 : i32
        %add3A_520 = arith.addi %mul3A_518, %add3A_519 : i32
        %swap3A_521 = arith.constant 0 : i32
        %swap3A_522 = arith.index_cast %swap3A_521 : i32 to index
        %swap3A_523 = arith.index_cast %add3A_520 : i32 to index
        %swap3A_524 = tpu.vector_load %arg8[%swap3A_522, %swap3A_523] {strides = array<i32>} : memref<2x3200xf32, #tpu.memory_space<vmem>>, vector<16xf32>,
        tpu.vector_store %arg8[%swap3A_522, %swap3A_523], %add3A_516 {strides = array<i32>} : memref<2x3200xf32, #tpu.memory_space<vmem>>, vector<16xf32>,
      }
      %broadcast_in_dim3A_207 = arith.constant 0.000000e+00 : f32
      %broadcast_in_dim3A_208 = vector.broadcast %broadcast_in_dim3A_207 : f32 to vector<16xf32>
      %while3A_209 = arith.constant 50 : i32
      %while3A_210 = arith.subi %while3A_209, %squeeze3A_131 : i32
      %while3A_211 = arith.addi %squeeze3A_131, %while3A_210 : i32
      %while3A_212 = arith.constant 1 : i32
      %while3A_213 = arith.divsi %while3A_210, %while3A_212 : i32
      %while3A_214 = arith.muli %while3A_213, %while3A_212 : i32
      %while3A_215 = arith.addi %squeeze3A_131, %while3A_214 : i32
      %while3A_216 = arith.constant 1 : i32
      scf.for %while3A_344 = %squeeze3A_131 to %while3A_215 step %while3A_216  : i32 {
        %mul3A_345 = arith.constant 64 : i32
        %mul3A_346 = arith.muli %while3A_344, %mul3A_345 : i32
        %add3A_347 = arith.constant 0 : i32
        %add3A_348 = arith.addi %mul3A_346, %add3A_347 : i32
        %swap3A = arith.constant 0 : i32
        %swap3A_349 = arith.index_cast %swap3A : i32 to index
        %swap3A_350 = arith.index_cast %add3A_348 : i32 to index
        %swap3A_351 = tpu.vector_load %arg8[%swap3A_349, %swap3A_350] {strides = array<i32>} : memref<2x3200xf32, #tpu.memory_space<vmem>>, vector<16xf32>,
        tpu.vector_store %arg8[%swap3A_349, %swap3A_350], %broadcast_in_dim3A_208 {strides = array<i32>} : memref<2x3200xf32, #tpu.memory_space<vmem>>, vector<16xf32>,
        %mul3A_352 = arith.constant 64 : i32
        %mul3A_353 = arith.muli %while3A_344, %mul3A_352 : i32
        %add3A_354 = arith.constant 16 : i32
        %add3A_355 = arith.addi %mul3A_353, %add3A_354 : i32
        %swap3A_356 = arith.constant 0 : i32
        %swap3A_357 = arith.index_cast %swap3A_356 : i32 to index
        %swap3A_358 = arith.index_cast %add3A_355 : i32 to index
        %swap3A_359 = tpu.vector_load %arg8[%swap3A_357, %swap3A_358] {strides = array<i32>} : memref<2x3200xf32, #tpu.memory_space<vmem>>, vector<16xf32>,
        tpu.vector_store %arg8[%swap3A_357, %swap3A_358], %broadcast_in_dim3A_208 {strides = array<i32>} : memref<2x3200xf32, #tpu.memory_space<vmem>>, vector<16xf32>,
        %mul3A_360 = arith.constant 64 : i32
        %mul3A_361 = arith.muli %while3A_344, %mul3A_360 : i32
        %add3A_362 = arith.constant 32 : i32
        %add3A_363 = arith.addi %mul3A_361, %add3A_362 : i32
        %swap3A_364 = arith.constant 0 : i32
        %swap3A_365 = arith.index_cast %swap3A_364 : i32 to index
        %swap3A_366 = arith.index_cast %add3A_363 : i32 to index
        %swap3A_367 = tpu.vector_load %arg8[%swap3A_365, %swap3A_366] {strides = array<i32>} : memref<2x3200xf32, #tpu.memory_space<vmem>>, vector<16xf32>,
        tpu.vector_store %arg8[%swap3A_365, %swap3A_366], %broadcast_in_dim3A_208 {strides = array<i32>} : memref<2x3200xf32, #tpu.memory_space<vmem>>, vector<16xf32>,
        %mul3A_368 = arith.constant 64 : i32
        %mul3A_369 = arith.muli %while3A_344, %mul3A_368 : i32
        %add3A_370 = arith.constant 48 : i32
        %add3A_371 = arith.addi %mul3A_369, %add3A_370 : i32
        %swap3A_372 = arith.constant 0 : i32
        %swap3A_373 = arith.index_cast %swap3A_372 : i32 to index
        %swap3A_374 = arith.index_cast %add3A_371 : i32 to index
        %swap3A_375 = tpu.vector_load %arg8[%swap3A_373, %swap3A_374] {strides = array<i32>} : memref<2x3200xf32, #tpu.memory_space<vmem>>, vector<16xf32>,
        tpu.vector_store %arg8[%swap3A_373, %swap3A_374], %broadcast_in_dim3A_208 {strides = array<i32>} : memref<2x3200xf32, #tpu.memory_space<vmem>>, vector<16xf32>,
      }
      %while3A_217 = arith.constant 1 : i32
      scf.for %while3A_344 = %while3A_215 to %while3A_211 step %while3A_217  : i32 {
        %mul3A_345 = arith.constant 64 : i32
        %mul3A_346 = arith.muli %while3A_344, %mul3A_345 : i32
        %add3A_347 = arith.constant 0 : i32
        %add3A_348 = arith.addi %mul3A_346, %add3A_347 : i32
        %swap3A = arith.constant 0 : i32
        %swap3A_349 = arith.index_cast %swap3A : i32 to index
        %swap3A_350 = arith.index_cast %add3A_348 : i32 to index
        %swap3A_351 = tpu.vector_load %arg8[%swap3A_349, %swap3A_350] {strides = array<i32>} : memref<2x3200xf32, #tpu.memory_space<vmem>>, vector<16xf32>,
        tpu.vector_store %arg8[%swap3A_349, %swap3A_350], %broadcast_in_dim3A_208 {strides = array<i32>} : memref<2x3200xf32, #tpu.memory_space<vmem>>, vector<16xf32>,
        %mul3A_352 = arith.constant 64 : i32
        %mul3A_353 = arith.muli %while3A_344, %mul3A_352 : i32
        %add3A_354 = arith.constant 16 : i32
        %add3A_355 = arith.addi %mul3A_353, %add3A_354 : i32
        %swap3A_356 = arith.constant 0 : i32
        %swap3A_357 = arith.index_cast %swap3A_356 : i32 to index
        %swap3A_358 = arith.index_cast %add3A_355 : i32 to index
        %swap3A_359 = tpu.vector_load %arg8[%swap3A_357, %swap3A_358] {strides = array<i32>} : memref<2x3200xf32, #tpu.memory_space<vmem>>, vector<16xf32>,
        tpu.vector_store %arg8[%swap3A_357, %swap3A_358], %broadcast_in_dim3A_208 {strides = array<i32>} : memref<2x3200xf32, #tpu.memory_space<vmem>>, vector<16xf32>,
        %mul3A_360 = arith.constant 64 : i32
        %mul3A_361 = arith.muli %while3A_344, %mul3A_360 : i32
        %add3A_362 = arith.constant 32 : i32
        %add3A_363 = arith.addi %mul3A_361, %add3A_362 : i32
        %swap3A_364 = arith.constant 0 : i32
        %swap3A_365 = arith.index_cast %swap3A_364 : i32 to index
        %swap3A_366 = arith.index_cast %add3A_363 : i32 to index
        %swap3A_367 = tpu.vector_load %arg8[%swap3A_365, %swap3A_366] {strides = array<i32>} : memref<2x3200xf32, #tpu.memory_space<vmem>>, vector<16xf32>,
        tpu.vector_store %arg8[%swap3A_365, %swap3A_366], %broadcast_in_dim3A_208 {strides = array<i32>} : memref<2x3200xf32, #tpu.memory_space<vmem>>, vector<16xf32>,
        %mul3A_368 = arith.constant 64 : i32
        %mul3A_369 = arith.muli %while3A_344, %mul3A_368 : i32
        %add3A_370 = arith.constant 48 : i32
        %add3A_371 = arith.addi %mul3A_369, %add3A_370 : i32
        %swap3A_372 = arith.constant 0 : i32
        %swap3A_373 = arith.index_cast %swap3A_372 : i32 to index
        %swap3A_374 = arith.index_cast %add3A_371 : i32 to index
        %swap3A_375 = tpu.vector_load %arg8[%swap3A_373, %swap3A_374] {strides = array<i32>} : memref<2x3200xf32, #tpu.memory_space<vmem>>, vector<16xf32>,
        tpu.vector_store %arg8[%swap3A_373, %swap3A_374], %broadcast_in_dim3A_208 {strides = array<i32>} : memref<2x3200xf32, #tpu.memory_space<vmem>>, vector<16xf32>,
      }
      %add3A_218 = arith.addi %mul3A_2, %mul3A_124 : i32
      %mul3A_219 = arith.constant 3200 : i32
      %mul3A_220 = arith.muli %add3A_218, %mul3A_219 : i32
      %dma_start3A_221 = arith.constant 0 : i32
      %dma_start3A_222 = arith.constant 0 : i32
      %dma_start3A_223 = tpu.memref_slice %arg8[%dma_start3A_221, %dma_start3A_222] : memref<2x3200xf32, #tpu.memory_space<vmem>> -> memref<1x3200xf32, #tpu.memory_space<vmem>>
      %dma_start3A_224 = tpu.memref_squeeze %dma_start3A_223 : memref<1x3200xf32, #tpu.memory_space<vmem>> -> memref<3200xf32, #tpu.memory_space<vmem>>
      %dma_start3A_225 = tpu.memref_slice %arg5[%mul3A_220] : memref<13107200xf32, #tpu.memory_space<hbm>> -> memref<3200xf32, #tpu.memory_space<hbm>>
      %dma_start3A_226 = tpu.memref_slice %arg5[%mul3A_220] : memref<13107200xf32, #tpu.memory_space<hbm>> -> memref<3200xf32, #tpu.memory_space<hbm>>
      %dma_start3A_227 = arith.constant 0 : i32
      %dma_start3A_228 = tpu.memref_slice %arg8[%dma_start3A_221, %dma_start3A_227] : memref<2x3200xf32, #tpu.memory_space<vmem>> -> memref<1x3200xf32, #tpu.memory_space<vmem>>
      %dma_start3A_229 = tpu.memref_squeeze %dma_start3A_228 : memref<1x3200xf32, #tpu.memory_space<vmem>> -> memref<3200xf32, #tpu.memory_space<vmem>>
      tpu.enqueue_dma source(%dma_start3A_229 : memref<3200xf32, #tpu.memory_space<vmem>>) target(%dma_start3A_226 : memref<3200xf32, #tpu.memory_space<hbm>>) target_semaphore(%arg14 : memref<!tpu.dma_semaphore, #tpu.memory_space<semaphore_mem>>)
      %mul3A_230 = arith.constant 2 : i32
      %mul3A_231 = arith.muli %mul3A_230, %scan3A_122 : i32
      %add3A_232 = arith.constant 1 : i32
      %add3A_233 = arith.addi %mul3A_231, %add3A_232 : i32
      %broadcast_in_dim3A_234 = arith.constant 0 : i32
      %broadcast_in_dim3A_235 = vector.broadcast %broadcast_in_dim3A_234 : i32 to vector<16xi32>
      %add3A_236 = vector.broadcast %add3A_233 : i32 to vector<16xi32>
      %add3A_237 = arith.addi %broadcast_in_dim3A_235, %add3A_236 : vector<16xi32>
      %gather3A_238 = tpu.vector_load_idx %arg9[%add3A_237] : memref<128xi32, #tpu.memory_space<vmem>>[vector<16xi32>], vector<16xi32>,
      %slice3A_239 = vector.extract_strided_slice %gather3A_238 {offsets = [0], sizes = [1], strides = [1]} : vector<16xi32> to vector<1xi32>
      %squeeze3A_240 = vector.extract %slice3A_239[0] : i32 from vector<1xi32>
      %add3A_241 = arith.constant 1 : i32
      %add3A_242 = arith.addi %add3A_233, %add3A_241 : i32
      %min3A_243 = arith.constant 127 : i32
      %min3A_244 = arith.minsi %add3A_242, %min3A_243 : i32
      %broadcast_in_dim3A_245 = arith.constant 0 : i32
      %broadcast_in_dim3A_246 = vector.broadcast %broadcast_in_dim3A_245 : i32 to vector<16xi32>
      %add3A_247 = vector.broadcast %min3A_244 : i32 to vector<16xi32>
      %add3A_248 = arith.addi %broadcast_in_dim3A_246, %add3A_247 : vector<16xi32>
      %gather3A_249 = tpu.vector_load_idx %arg9[%add3A_248] : memref<128xi32, #tpu.memory_space<vmem>>[vector<16xi32>], vector<16xi32>,
      %slice3A_250 = vector.extract_strided_slice %gather3A_249 {offsets = [0], sizes = [1], strides = [1]} : vector<16xi32> to vector<1xi32>
      %squeeze3A_251 = vector.extract %slice3A_250[0] : i32 from vector<1xi32>
      %mul3A_252 = arith.constant 5 : i32
      %mul3A_253 = arith.muli %squeeze3A_251, %mul3A_252 : i32
      %add3A_254 = arith.constant 1 : i32
      %add3A_255 = arith.addi %add3A_233, %add3A_254 : i32
      %lt3A_256 = arith.constant 128 : i32
      %lt3A_257 = arith.cmpi slt, %add3A_255, %lt3A_256 : i32
      %convert_element_type3A_258 = arith.extui %lt3A_257 : i1 to i32
      %cond3A_259 = arith.constant 0 : i32
      %cond3A_260 = arith.cmpi ne, %convert_element_type3A_258, %cond3A_259 : i32
      scf.if %cond3A_260 {
        %add3A_344 = arith.constant 1 : i32
        %add3A_345 = arith.addi %add3A_233, %add3A_344 : i32
        %add3A_346 = arith.addi %mul3A_2, %add3A_345 : i32
        %dma_wait3A_347 = arith.constant 0 : i32
        %dma_wait3A_348 = arith.constant 0 : i32
        %dma_wait3A_349 = arith.constant 0 : i32
        %dma_wait3A_350 = tpu.memref_slice %arg6[%dma_wait3A_347, %dma_wait3A_348, %dma_wait3A_349] : memref<2x8x32xi32, #tpu.memory_space<vmem>> -> memref<1x8x32xi32, #tpu.memory_space<vmem>>
        %dma_wait3A_351 = tpu.memref_squeeze %dma_wait3A_350 : memref<1x8x32xi32, #tpu.memory_space<vmem>> -> memref<8x32xi32, #tpu.memory_space<vmem>>
        %dma_wait3A_352 = arith.constant 0 : i32
        %dma_wait3A_353 = arith.constant 0 : i32
        %dma_wait3A_354 = tpu.memref_slice %arg2[%add3A_346, %dma_wait3A_352, %dma_wait3A_353] : memref<4096x8x32xi32, #tpu.memory_space<hbm>> -> memref<1x8x32xi32, #tpu.memory_space<hbm>>
        %dma_wait3A_355 = tpu.memref_squeeze %dma_wait3A_354 : memref<1x8x32xi32, #tpu.memory_space<hbm>> -> memref<8x32xi32, #tpu.memory_space<hbm>>
        %dma_wait3A_356 = arith.constant 0 : i32
        %dma_wait3A_357 = arith.constant 0 : i32
        %dma_wait3A_358 = tpu.memref_slice %arg6[%dma_wait3A_347, %dma_wait3A_356, %dma_wait3A_357] : memref<2x8x32xi32, #tpu.memory_space<vmem>> -> memref<1x8x32xi32, #tpu.memory_space<vmem>>
        %dma_wait3A_359 = tpu.memref_squeeze %dma_wait3A_358 : memref<1x8x32xi32, #tpu.memory_space<vmem>> -> memref<8x32xi32, #tpu.memory_space<vmem>>
        %dma_wait3A_360 = arith.constant 0 : i32
        %dma_wait3A_361 = arith.constant 0 : i32
        %dma_wait3A_362 = tpu.memref_slice %arg2[%add3A_346, %dma_wait3A_360, %dma_wait3A_361] : memref<4096x8x32xi32, #tpu.memory_space<hbm>> -> memref<1x8x32xi32, #tpu.memory_space<hbm>>
        %dma_wait3A_363 = tpu.memref_squeeze %dma_wait3A_362 : memref<1x8x32xi32, #tpu.memory_space<hbm>> -> memref<8x32xi32, #tpu.memory_space<hbm>>
        tpu.wait_dma2 semaphore(%arg10 : memref<!tpu.dma_semaphore, #tpu.memory_space<semaphore_mem>>) src(%dma_wait3A_363 : memref<8x32xi32, #tpu.memory_space<hbm>>) dst(%dma_wait3A_359 : memref<8x32xi32, #tpu.memory_space<vmem>>)
        %add3A_364 = arith.constant 32 : i32
        %add3A_365 = arith.addi %mul3A_253, %add3A_364 : i32
        %sub3A_366 = arith.constant 1 : i32
        %sub3A_367 = arith.subi %add3A_365, %sub3A_366 : i32
        %jit3A_368 = arith.constant 32 : i32
        %div3A_369 = arith.divsi %sub3A_367, %jit3A_368 : i32
        %sign3A_370 = arith.constant 0 : i32
        %sign3A_371 = arith.cmpi sgt, %sub3A_367, %sign3A_370 : i32
        %sign3A_372 = arith.extui %sign3A_371 : i1 to i32
        %sign3A_373 = arith.constant 0 : i32
        %sign3A_374 = arith.cmpi slt, %sub3A_367, %sign3A_373 : i32
        %sign3A_375 = arith.extui %sign3A_374 : i1 to i32
        %sign3A_376 = arith.subi %sign3A_372, %sign3A_375 : i32
        %sign3A_377 = arith.constant 0 : i32
        %sign3A_378 = arith.cmpi sgt, %jit3A_368, %sign3A_377 : i32
        %sign3A_379 = arith.extui %sign3A_378 : i1 to i32
        %sign3A_380 = arith.constant 0 : i32
        %sign3A_381 = arith.cmpi slt, %jit3A_368, %sign3A_380 : i32
        %sign3A_382 = arith.extui %sign3A_381 : i1 to i32
        %sign3A_383 = arith.subi %sign3A_379, %sign3A_382 : i32
        %ne3A_384 = arith.cmpi ne, %sign3A_376, %sign3A_383 : i32
        %rem3A_385 = arith.remsi %sub3A_367, %jit3A_368 : i32
        %ne3A_386 = arith.constant 0 : i32
        %ne3A_387 = arith.cmpi ne, %rem3A_385, %ne3A_386 : i32
        %and3A_388 = arith.andi %ne3A_384, %ne3A_387 : i1
        %sub3A_389 = arith.constant 1 : i32
        %sub3A_390 = arith.subi %div3A_369, %sub3A_389 : i32
        %select_n3A_391 = arith.select %and3A_388, %sub3A_390, %div3A_369 : i32
        %while3A_392 = arith.constant 0 : i32
        %while3A_393 = arith.subi %select_n3A_391, %while3A_392 : i32
        %while3A_394 = arith.addi %while3A_392, %while3A_393 : i32
        %while3A_395 = arith.constant 1 : i32
        %while3A_396 = arith.divsi %while3A_393, %while3A_395 : i32
        %while3A_397 = arith.muli %while3A_396, %while3A_395 : i32
        %while3A_398 = arith.addi %while3A_392, %while3A_397 : i32
        %while3A_399 = arith.constant 1 : i32
        scf.for %while3A_401 = %while3A_392 to %while3A_398 step %while3A_399  : i32 {
          %mul3A_402 = arith.constant 32 : i32
          %mul3A_403 = arith.muli %while3A_401, %mul3A_402 : i32
          %multiple_of3A = tpu.assume_multiple %mul3A_403, 32 : i32
          %dma_start3A_404 = arith.constant 0 : i32
          %dma_start3A_405 = arith.constant 0 : i32
          %dma_start3A_406 = arith.constant 0 : i32
          %dma_start3A_407 = tpu.memref_slice %arg7[%dma_start3A_405, %multiple_of3A, %dma_start3A_406] : memref<2x256x64xf32, #tpu.memory_space<vmem>> -> memref<1x32x64xf32, #tpu.memory_space<vmem>>
          %dma_start3A_408 = tpu.memref_squeeze %dma_start3A_407 : memref<1x32x64xf32, #tpu.memory_space<vmem>> -> memref<32x64xf32, #tpu.memory_space<vmem>>
          %dma_start3A_409 = arith.constant 0 : i32
          %dma_start3A_410 = tpu.memref_slice %arg6[%dma_start3A_404, %while3A_401, %dma_start3A_409] : memref<2x8x32xi32, #tpu.memory_space<vmem>> -> memref<1x1x32xi32, #tpu.memory_space<vmem>>
          %dma_start3A_411 = tpu.memref_squeeze %dma_start3A_410 : memref<1x1x32xi32, #tpu.memory_space<vmem>> -> memref<32xi32, #tpu.memory_space<vmem>>
          %dma_start3A_412 = arith.constant 0 : i32
          %dma_start3A_413 = arith.constant 0 : i32
          %dma_start3A_414 = tpu.memref_slice %arg4[%dma_start3A_412, %dma_start3A_413] : memref<100001x64xf32, #tpu.memory_space<hbm>> -> memref<100001x64xf32, #tpu.memory_space<hbm>>
          tpu.enqueue_indirect_dma source(%dma_start3A_414 : memref<100001x64xf32, #tpu.memory_space<hbm>>) target(%dma_start3A_408 : memref<32x64xf32, #tpu.memory_space<vmem>>) offsets(%dma_start3A_411 : memref<32xi32, #tpu.memory_space<vmem>>) semaphore(%arg12 : memref<!tpu.dma_semaphore, #tpu.memory_space<semaphore_mem>>)
        }
        %while3A_400 = arith.constant 1 : i32
        scf.for %while3A_401 = %while3A_398 to %while3A_394 step %while3A_400  : i32 {
          %mul3A_402 = arith.constant 32 : i32
          %mul3A_403 = arith.muli %while3A_401, %mul3A_402 : i32
          %multiple_of3A = tpu.assume_multiple %mul3A_403, 32 : i32
          %dma_start3A_404 = arith.constant 0 : i32
          %dma_start3A_405 = arith.constant 0 : i32
          %dma_start3A_406 = arith.constant 0 : i32
          %dma_start3A_407 = tpu.memref_slice %arg7[%dma_start3A_405, %multiple_of3A, %dma_start3A_406] : memref<2x256x64xf32, #tpu.memory_space<vmem>> -> memref<1x32x64xf32, #tpu.memory_space<vmem>>
          %dma_start3A_408 = tpu.memref_squeeze %dma_start3A_407 : memref<1x32x64xf32, #tpu.memory_space<vmem>> -> memref<32x64xf32, #tpu.memory_space<vmem>>
          %dma_start3A_409 = arith.constant 0 : i32
          %dma_start3A_410 = tpu.memref_slice %arg6[%dma_start3A_404, %while3A_401, %dma_start3A_409] : memref<2x8x32xi32, #tpu.memory_space<vmem>> -> memref<1x1x32xi32, #tpu.memory_space<vmem>>
          %dma_start3A_411 = tpu.memref_squeeze %dma_start3A_410 : memref<1x1x32xi32, #tpu.memory_space<vmem>> -> memref<32xi32, #tpu.memory_space<vmem>>
          %dma_start3A_412 = arith.constant 0 : i32
          %dma_start3A_413 = arith.constant 0 : i32
          %dma_start3A_414 = tpu.memref_slice %arg4[%dma_start3A_412, %dma_start3A_413] : memref<100001x64xf32, #tpu.memory_space<hbm>> -> memref<100001x64xf32, #tpu.memory_space<hbm>>
          tpu.enqueue_indirect_dma source(%dma_start3A_414 : memref<100001x64xf32, #tpu.memory_space<hbm>>) target(%dma_start3A_408 : memref<32x64xf32, #tpu.memory_space<vmem>>) offsets(%dma_start3A_411 : memref<32xi32, #tpu.memory_space<vmem>>) semaphore(%arg12 : memref<!tpu.dma_semaphore, #tpu.memory_space<semaphore_mem>>)
        }
      } else {
      }
      %mul3A_261 = arith.constant 5 : i32
      %mul3A_262 = arith.muli %squeeze3A_240, %mul3A_261 : i32
      %add3A_263 = arith.constant 32 : i32
      %add3A_264 = arith.addi %mul3A_262, %add3A_263 : i32
      %sub3A_265 = arith.constant 1 : i32
      %sub3A_266 = arith.subi %add3A_264, %sub3A_265 : i32
      %jit3A_267 = arith.constant 32 : i32
      %div3A_268 = arith.divsi %sub3A_266, %jit3A_267 : i32
      %sign3A_269 = arith.constant 0 : i32
      %sign3A_270 = arith.cmpi sgt, %sub3A_266, %sign3A_269 : i32
      %sign3A_271 = arith.extui %sign3A_270 : i1 to i32
      %sign3A_272 = arith.constant 0 : i32
      %sign3A_273 = arith.cmpi slt, %sub3A_266, %sign3A_272 : i32
      %sign3A_274 = arith.extui %sign3A_273 : i1 to i32
      %sign3A_275 = arith.subi %sign3A_271, %sign3A_274 : i32
      %sign3A_276 = arith.constant 0 : i32
      %sign3A_277 = arith.cmpi sgt, %jit3A_267, %sign3A_276 : i32
      %sign3A_278 = arith.extui %sign3A_277 : i1 to i32
      %sign3A_279 = arith.constant 0 : i32
      %sign3A_280 = arith.cmpi slt, %jit3A_267, %sign3A_279 : i32
      %sign3A_281 = arith.extui %sign3A_280 : i1 to i32
      %sign3A_282 = arith.subi %sign3A_278, %sign3A_281 : i32
      %ne3A_283 = arith.cmpi ne, %sign3A_275, %sign3A_282 : i32
      %rem3A_284 = arith.remsi %sub3A_266, %jit3A_267 : i32
      %ne3A_285 = arith.constant 0 : i32
      %ne3A_286 = arith.cmpi ne, %rem3A_284, %ne3A_285 : i32
      %and3A_287 = arith.andi %ne3A_283, %ne3A_286 : i1
      %sub3A_288 = arith.constant 1 : i32
      %sub3A_289 = arith.subi %div3A_268, %sub3A_288 : i32
      %select_n3A_290 = arith.select %and3A_287, %sub3A_289, %div3A_268 : i32
      %while3A_291 = arith.constant 0 : i32
      %while3A_292 = arith.subi %select_n3A_290, %while3A_291 : i32
      %while3A_293 = arith.addi %while3A_291, %while3A_292 : i32
      %while3A_294 = arith.constant 1 : i32
      %while3A_295 = arith.divsi %while3A_292, %while3A_294 : i32
      %while3A_296 = arith.muli %while3A_295, %while3A_294 : i32
      %while3A_297 = arith.addi %while3A_291, %while3A_296 : i32
      %while3A_298 = arith.constant 1 : i32
      scf.for %while3A_344 = %while3A_291 to %while3A_297 step %while3A_298  : i32 {
        %mul3A_345 = arith.constant 32 : i32
        %mul3A_346 = arith.muli %while3A_344, %mul3A_345 : i32
        %multiple_of3A = tpu.assume_multiple %mul3A_346, 32 : i32
        %dma_wait3A_347 = arith.constant 1 : i32
        %dma_wait3A_348 = arith.constant 1 : i32
        %dma_wait3A_349 = arith.constant 0 : i32
        %dma_wait3A_350 = tpu.memref_slice %arg7[%dma_wait3A_348, %multiple_of3A, %dma_wait3A_349] : memref<2x256x64xf32, #tpu.memory_space<vmem>> -> memref<1x32x64xf32, #tpu.memory_space<vmem>>
        %dma_wait3A_351 = tpu.memref_squeeze %dma_wait3A_350 : memref<1x32x64xf32, #tpu.memory_space<vmem>> -> memref<32x64xf32, #tpu.memory_space<vmem>>
        %dma_wait3A_352 = arith.constant 0 : i32
        %dma_wait3A_353 = tpu.memref_slice %arg6[%dma_wait3A_347, %while3A_344, %dma_wait3A_352] : memref<2x8x32xi32, #tpu.memory_space<vmem>> -> memref<1x1x32xi32, #tpu.memory_space<vmem>>
        %dma_wait3A_354 = tpu.memref_squeeze %dma_wait3A_353 : memref<1x1x32xi32, #tpu.memory_space<vmem>> -> memref<32xi32, #tpu.memory_space<vmem>>
        %dma_wait3A_355 = arith.constant 0 : i32
        %dma_wait3A_356 = arith.constant 0 : i32
        %dma_wait3A_357 = tpu.memref_slice %arg4[%dma_wait3A_355, %dma_wait3A_356] : memref<100001x64xf32, #tpu.memory_space<hbm>> -> memref<100001x64xf32, #tpu.memory_space<hbm>>
        tpu.wait_indirect_dma semaphore(%arg13 : memref<!tpu.dma_semaphore, #tpu.memory_space<semaphore_mem>>) src(%dma_wait3A_357 : memref<100001x64xf32, #tpu.memory_space<hbm>>) dst(%dma_wait3A_351 : memref<32x64xf32, #tpu.memory_space<vmem>>)
      }
      %while3A_299 = arith.constant 1 : i32
      scf.for %while3A_344 = %while3A_297 to %while3A_293 step %while3A_299  : i32 {
        %mul3A_345 = arith.constant 32 : i32
        %mul3A_346 = arith.muli %while3A_344, %mul3A_345 : i32
        %multiple_of3A = tpu.assume_multiple %mul3A_346, 32 : i32
        %dma_wait3A_347 = arith.constant 1 : i32
        %dma_wait3A_348 = arith.constant 1 : i32
        %dma_wait3A_349 = arith.constant 0 : i32
        %dma_wait3A_350 = tpu.memref_slice %arg7[%dma_wait3A_348, %multiple_of3A, %dma_wait3A_349] : memref<2x256x64xf32, #tpu.memory_space<vmem>> -> memref<1x32x64xf32, #tpu.memory_space<vmem>>
        %dma_wait3A_351 = tpu.memref_squeeze %dma_wait3A_350 : memref<1x32x64xf32, #tpu.memory_space<vmem>> -> memref<32x64xf32, #tpu.memory_space<vmem>>
        %dma_wait3A_352 = arith.constant 0 : i32
        %dma_wait3A_353 = tpu.memref_slice %arg6[%dma_wait3A_347, %while3A_344, %dma_wait3A_352] : memref<2x8x32xi32, #tpu.memory_space<vmem>> -> memref<1x1x32xi32, #tpu.memory_space<vmem>>
        %dma_wait3A_354 = tpu.memref_squeeze %dma_wait3A_353 : memref<1x1x32xi32, #tpu.memory_space<vmem>> -> memref<32xi32, #tpu.memory_space<vmem>>
        %dma_wait3A_355 = arith.constant 0 : i32
        %dma_wait3A_356 = arith.constant 0 : i32
        %dma_wait3A_357 = tpu.memref_slice %arg4[%dma_wait3A_355, %dma_wait3A_356] : memref<100001x64xf32, #tpu.memory_space<hbm>> -> memref<100001x64xf32, #tpu.memory_space<hbm>>
        tpu.wait_indirect_dma semaphore(%arg13 : memref<!tpu.dma_semaphore, #tpu.memory_space<semaphore_mem>>) src(%dma_wait3A_357 : memref<100001x64xf32, #tpu.memory_space<hbm>>) dst(%dma_wait3A_351 : memref<32x64xf32, #tpu.memory_space<vmem>>)
      }
      %add3A_300 = arith.constant 2 : i32
      %add3A_301 = arith.addi %add3A_233, %add3A_300 : i32
      %lt3A_302 = arith.constant 128 : i32
      %lt3A_303 = arith.cmpi slt, %add3A_301, %lt3A_302 : i32
      %convert_element_type3A_304 = arith.extui %lt3A_303 : i1 to i32
      %cond3A_305 = arith.constant 0 : i32
      %cond3A_306 = arith.cmpi ne, %convert_element_type3A_304, %cond3A_305 : i32
      scf.if %cond3A_306 {
        %add3A_344 = arith.constant 2 : i32
        %add3A_345 = arith.addi %add3A_233, %add3A_344 : i32
        %add3A_346 = arith.addi %mul3A_2, %add3A_345 : i32
        %dma_start3A_347 = arith.constant 1 : i32
        %dma_start3A_348 = arith.constant 0 : i32
        %dma_start3A_349 = arith.constant 0 : i32
        %dma_start3A_350 = tpu.memref_slice %arg6[%dma_start3A_347, %dma_start3A_348, %dma_start3A_349] : memref<2x8x32xi32, #tpu.memory_space<vmem>> -> memref<1x8x32xi32, #tpu.memory_space<vmem>>
        %dma_start3A_351 = tpu.memref_squeeze %dma_start3A_350 : memref<1x8x32xi32, #tpu.memory_space<vmem>> -> memref<8x32xi32, #tpu.memory_space<vmem>>
        %dma_start3A_352 = arith.constant 0 : i32
        %dma_start3A_353 = arith.constant 0 : i32
        %dma_start3A_354 = tpu.memref_slice %arg2[%add3A_346, %dma_start3A_352, %dma_start3A_353] : memref<4096x8x32xi32, #tpu.memory_space<hbm>> -> memref<1x8x32xi32, #tpu.memory_space<hbm>>
        %dma_start3A_355 = tpu.memref_squeeze %dma_start3A_354 : memref<1x8x32xi32, #tpu.memory_space<hbm>> -> memref<8x32xi32, #tpu.memory_space<hbm>>
        %dma_start3A_356 = arith.constant 0 : i32
        %dma_start3A_357 = arith.constant 0 : i32
        %dma_start3A_358 = tpu.memref_slice %arg6[%dma_start3A_347, %dma_start3A_356, %dma_start3A_357] : memref<2x8x32xi32, #tpu.memory_space<vmem>> -> memref<1x8x32xi32, #tpu.memory_space<vmem>>
        %dma_start3A_359 = tpu.memref_squeeze %dma_start3A_358 : memref<1x8x32xi32, #tpu.memory_space<vmem>> -> memref<8x32xi32, #tpu.memory_space<vmem>>
        %dma_start3A_360 = arith.constant 0 : i32
        %dma_start3A_361 = arith.constant 0 : i32
        %dma_start3A_362 = tpu.memref_slice %arg2[%add3A_346, %dma_start3A_360, %dma_start3A_361] : memref<4096x8x32xi32, #tpu.memory_space<hbm>> -> memref<1x8x32xi32, #tpu.memory_space<hbm>>
        %dma_start3A_363 = tpu.memref_squeeze %dma_start3A_362 : memref<1x8x32xi32, #tpu.memory_space<hbm>> -> memref<8x32xi32, #tpu.memory_space<hbm>>
        tpu.enqueue_dma source(%dma_start3A_363 : memref<8x32xi32, #tpu.memory_space<hbm>>) target(%dma_start3A_359 : memref<8x32xi32, #tpu.memory_space<vmem>>) target_semaphore(%arg11 : memref<!tpu.dma_semaphore, #tpu.memory_space<semaphore_mem>>)
      } else {
      }
      %ge3A_307 = arith.constant 2 : i32
      %ge3A_308 = arith.cmpi sge, %add3A_233, %ge3A_307 : i32
      %convert_element_type3A_309 = arith.extui %ge3A_308 : i1 to i32
      %cond3A_310 = arith.constant 0 : i32
      %cond3A_311 = arith.cmpi ne, %convert_element_type3A_309, %cond3A_310 : i32
      scf.if %cond3A_311 {
        %sub3A_344 = arith.constant 2 : i32
        %sub3A_345 = arith.subi %add3A_233, %sub3A_344 : i32
        %add3A_346 = arith.addi %mul3A_2, %sub3A_345 : i32
        %mul3A_347 = arith.constant 3200 : i32
        %mul3A_348 = arith.muli %add3A_346, %mul3A_347 : i32
        %dma_wait3A_349 = arith.constant 1 : i32
        %dma_wait3A_350 = arith.constant 0 : i32
        %dma_wait3A_351 = tpu.memref_slice %arg8[%dma_wait3A_349, %dma_wait3A_350] : memref<2x3200xf32, #tpu.memory_space<vmem>> -> memref<1x3200xf32, #tpu.memory_space<vmem>>
        %dma_wait3A_352 = tpu.memref_squeeze %dma_wait3A_351 : memref<1x3200xf32, #tpu.memory_space<vmem>> -> memref<3200xf32, #tpu.memory_space<vmem>>
        %dma_wait3A_353 = tpu.memref_slice %arg5[%mul3A_348] : memref<13107200xf32, #tpu.memory_space<hbm>> -> memref<3200xf32, #tpu.memory_space<hbm>>
        %dma_wait3A_354 = tpu.memref_slice %arg5[%mul3A_348] : memref<13107200xf32, #tpu.memory_space<hbm>> -> memref<3200xf32, #tpu.memory_space<hbm>>
        %dma_wait3A_355 = arith.constant 0 : i32
        %dma_wait3A_356 = tpu.memref_slice %arg8[%dma_wait3A_349, %dma_wait3A_355] : memref<2x3200xf32, #tpu.memory_space<vmem>> -> memref<1x3200xf32, #tpu.memory_space<vmem>>
        %dma_wait3A_357 = tpu.memref_squeeze %dma_wait3A_356 : memref<1x3200xf32, #tpu.memory_space<vmem>> -> memref<3200xf32, #tpu.memory_space<vmem>>
        tpu.wait_dma2 semaphore(%arg14 : memref<!tpu.dma_semaphore, #tpu.memory_space<semaphore_mem>>) src(%dma_wait3A_357 : memref<3200xf32, #tpu.memory_space<vmem>>) dst(%dma_wait3A_354 : memref<3200xf32, #tpu.memory_space<hbm>>)
      } else {
      }
      %while3A_312 = arith.constant 0 : i32
      %while3A_313 = arith.subi %squeeze3A_240, %while3A_312 : i32
      %while3A_314 = arith.addi %while3A_312, %while3A_313 : i32
      %while3A_315 = arith.constant 1 : i32
      %while3A_316 = arith.divsi %while3A_313, %while3A_315 : i32
      %while3A_317 = arith.muli %while3A_316, %while3A_315 : i32
      %while3A_318 = arith.addi %while3A_312, %while3A_317 : i32
      %while3A_319 = arith.constant 1 : i32
      scf.for %while3A_344 = %while3A_312 to %while3A_318 step %while3A_319  : i32 {
        %mul3A_345 = arith.constant 5 : i32
        %mul3A_346 = arith.muli %while3A_344, %mul3A_345 : i32
        %get3A = arith.constant 1 : i32
        %get3A_347 = arith.index_cast %get3A : i32 to index
        %get3A_348 = arith.index_cast %mul3A_346 : i32 to index
        %get3A_349 = arith.constant 0 : index
        %get3A_350 = tpu.vector_load %arg7[%get3A_347, %get3A_348, %get3A_349] {strides = array<i32>} : memref<2x256x64xf32, #tpu.memory_space<vmem>>, vector<16xf32>,
        %add3A_351 = arith.constant 1 : i32
        %add3A_352 = arith.addi %mul3A_346, %add3A_351 : i32
        %get3A_353 = arith.constant 1 : i32
        %get3A_354 = arith.index_cast %get3A_353 : i32 to index
        %get3A_355 = arith.index_cast %add3A_352 : i32 to index
        %get3A_356 = arith.constant 0 : index
        %get3A_357 = tpu.vector_load %arg7[%get3A_354, %get3A_355, %get3A_356] {strides = array<i32>} : memref<2x256x64xf32, #tpu.memory_space<vmem>>, vector<16xf32>,
        %add3A_358 = arith.addf %get3A_350, %get3A_357 : vector<16xf32>
        %add3A_359 = arith.constant 2 : i32
        %add3A_360 = arith.addi %mul3A_346, %add3A_359 : i32
        %get3A_361 = arith.constant 1 : i32
        %get3A_362 = arith.index_cast %get3A_361 : i32 to index
        %get3A_363 = arith.index_cast %add3A_360 : i32 to index
        %get3A_364 = arith.constant 0 : index
        %get3A_365 = tpu.vector_load %arg7[%get3A_362, %get3A_363, %get3A_364] {strides = array<i32>} : memref<2x256x64xf32, #tpu.memory_space<vmem>>, vector<16xf32>,
        %add3A_366 = arith.addf %add3A_358, %get3A_365 : vector<16xf32>
        %add3A_367 = arith.constant 3 : i32
        %add3A_368 = arith.addi %mul3A_346, %add3A_367 : i32
        %get3A_369 = arith.constant 1 : i32
        %get3A_370 = arith.index_cast %get3A_369 : i32 to index
        %get3A_371 = arith.index_cast %add3A_368 : i32 to index
        %get3A_372 = arith.constant 0 : index
        %get3A_373 = tpu.vector_load %arg7[%get3A_370, %get3A_371, %get3A_372] {strides = array<i32>} : memref<2x256x64xf32, #tpu.memory_space<vmem>>, vector<16xf32>,
        %add3A_374 = arith.addf %add3A_366, %get3A_373 : vector<16xf32>
        %add3A_375 = arith.constant 4 : i32
        %add3A_376 = arith.addi %mul3A_346, %add3A_375 : i32
        %get3A_377 = arith.constant 1 : i32
        %get3A_378 = arith.index_cast %get3A_377 : i32 to index
        %get3A_379 = arith.index_cast %add3A_376 : i32 to index
        %get3A_380 = arith.constant 0 : index
        %get3A_381 = tpu.vector_load %arg7[%get3A_378, %get3A_379, %get3A_380] {strides = array<i32>} : memref<2x256x64xf32, #tpu.memory_space<vmem>>, vector<16xf32>,
        %add3A_382 = arith.addf %add3A_374, %get3A_381 : vector<16xf32>
        %mul3A_383 = arith.constant 64 : i32
        %mul3A_384 = arith.muli %while3A_344, %mul3A_383 : i32
        %add3A_385 = arith.constant 0 : i32
        %add3A_386 = arith.addi %mul3A_384, %add3A_385 : i32
        %swap3A = arith.constant 1 : i32
        %swap3A_387 = arith.index_cast %swap3A : i32 to index
        %swap3A_388 = arith.index_cast %add3A_386 : i32 to index
        %swap3A_389 = tpu.vector_load %arg8[%swap3A_387, %swap3A_388] {strides = array<i32>} : memref<2x3200xf32, #tpu.memory_space<vmem>>, vector<16xf32>,
        tpu.vector_store %arg8[%swap3A_387, %swap3A_388], %add3A_382 {strides = array<i32>} : memref<2x3200xf32, #tpu.memory_space<vmem>>, vector<16xf32>,
        %get3A_390 = arith.constant 1 : i32
        %get3A_391 = arith.index_cast %get3A_390 : i32 to index
        %get3A_392 = arith.index_cast %mul3A_346 : i32 to index
        %get3A_393 = arith.constant 16 : index
        %get3A_394 = tpu.vector_load %arg7[%get3A_391, %get3A_392, %get3A_393] {strides = array<i32>} : memref<2x256x64xf32, #tpu.memory_space<vmem>>, vector<16xf32>,
        %add3A_395 = arith.constant 1 : i32
        %add3A_396 = arith.addi %mul3A_346, %add3A_395 : i32
        %get3A_397 = arith.constant 1 : i32
        %get3A_398 = arith.index_cast %get3A_397 : i32 to index
        %get3A_399 = arith.index_cast %add3A_396 : i32 to index
        %get3A_400 = arith.constant 16 : index
        %get3A_401 = tpu.vector_load %arg7[%get3A_398, %get3A_399, %get3A_400] {strides = array<i32>} : memref<2x256x64xf32, #tpu.memory_space<vmem>>, vector<16xf32>,
        %add3A_402 = arith.addf %get3A_394, %get3A_401 : vector<16xf32>
        %add3A_403 = arith.constant 2 : i32
        %add3A_404 = arith.addi %mul3A_346, %add3A_403 : i32
        %get3A_405 = arith.constant 1 : i32
        %get3A_406 = arith.index_cast %get3A_405 : i32 to index
        %get3A_407 = arith.index_cast %add3A_404 : i32 to index
        %get3A_408 = arith.constant 16 : index
        %get3A_409 = tpu.vector_load %arg7[%get3A_406, %get3A_407, %get3A_408] {strides = array<i32>} : memref<2x256x64xf32, #tpu.memory_space<vmem>>, vector<16xf32>,
        %add3A_410 = arith.addf %add3A_402, %get3A_409 : vector<16xf32>
        %add3A_411 = arith.constant 3 : i32
        %add3A_412 = arith.addi %mul3A_346, %add3A_411 : i32
        %get3A_413 = arith.constant 1 : i32
        %get3A_414 = arith.index_cast %get3A_413 : i32 to index
        %get3A_415 = arith.index_cast %add3A_412 : i32 to index
        %get3A_416 = arith.constant 16 : index
        %get3A_417 = tpu.vector_load %arg7[%get3A_414, %get3A_415, %get3A_416] {strides = array<i32>} : memref<2x256x64xf32, #tpu.memory_space<vmem>>, vector<16xf32>,
        %add3A_418 = arith.addf %add3A_410, %get3A_417 : vector<16xf32>
        %add3A_419 = arith.constant 4 : i32
        %add3A_420 = arith.addi %mul3A_346, %add3A_419 : i32
        %get3A_421 = arith.constant 1 : i32
        %get3A_422 = arith.index_cast %get3A_421 : i32 to index
        %get3A_423 = arith.index_cast %add3A_420 : i32 to index
        %get3A_424 = arith.constant 16 : index
        %get3A_425 = tpu.vector_load %arg7[%get3A_422, %get3A_423, %get3A_424] {strides = array<i32>} : memref<2x256x64xf32, #tpu.memory_space<vmem>>, vector<16xf32>,
        %add3A_426 = arith.addf %add3A_418, %get3A_425 : vector<16xf32>
        %mul3A_427 = arith.constant 64 : i32
        %mul3A_428 = arith.muli %while3A_344, %mul3A_427 : i32
        %add3A_429 = arith.constant 16 : i32
        %add3A_430 = arith.addi %mul3A_428, %add3A_429 : i32
        %swap3A_431 = arith.constant 1 : i32
        %swap3A_432 = arith.index_cast %swap3A_431 : i32 to index
        %swap3A_433 = arith.index_cast %add3A_430 : i32 to index
        %swap3A_434 = tpu.vector_load %arg8[%swap3A_432, %swap3A_433] {strides = array<i32>} : memref<2x3200xf32, #tpu.memory_space<vmem>>, vector<16xf32>,
        tpu.vector_store %arg8[%swap3A_432, %swap3A_433], %add3A_426 {strides = array<i32>} : memref<2x3200xf32, #tpu.memory_space<vmem>>, vector<16xf32>,
        %get3A_435 = arith.constant 1 : i32
        %get3A_436 = arith.index_cast %get3A_435 : i32 to index
        %get3A_437 = arith.index_cast %mul3A_346 : i32 to index
        %get3A_438 = arith.constant 32 : index
        %get3A_439 = tpu.vector_load %arg7[%get3A_436, %get3A_437, %get3A_438] {strides = array<i32>} : memref<2x256x64xf32, #tpu.memory_space<vmem>>, vector<16xf32>,
        %add3A_440 = arith.constant 1 : i32
        %add3A_441 = arith.addi %mul3A_346, %add3A_440 : i32
        %get3A_442 = arith.constant 1 : i32
        %get3A_443 = arith.index_cast %get3A_442 : i32 to index
        %get3A_444 = arith.index_cast %add3A_441 : i32 to index
        %get3A_445 = arith.constant 32 : index
        %get3A_446 = tpu.vector_load %arg7[%get3A_443, %get3A_444, %get3A_445] {strides = array<i32>} : memref<2x256x64xf32, #tpu.memory_space<vmem>>, vector<16xf32>,
        %add3A_447 = arith.addf %get3A_439, %get3A_446 : vector<16xf32>
        %add3A_448 = arith.constant 2 : i32
        %add3A_449 = arith.addi %mul3A_346, %add3A_448 : i32
        %get3A_450 = arith.constant 1 : i32
        %get3A_451 = arith.index_cast %get3A_450 : i32 to index
        %get3A_452 = arith.index_cast %add3A_449 : i32 to index
        %get3A_453 = arith.constant 32 : index
        %get3A_454 = tpu.vector_load %arg7[%get3A_451, %get3A_452, %get3A_453] {strides = array<i32>} : memref<2x256x64xf32, #tpu.memory_space<vmem>>, vector<16xf32>,
        %add3A_455 = arith.addf %add3A_447, %get3A_454 : vector<16xf32>
        %add3A_456 = arith.constant 3 : i32
        %add3A_457 = arith.addi %mul3A_346, %add3A_456 : i32
        %get3A_458 = arith.constant 1 : i32
        %get3A_459 = arith.index_cast %get3A_458 : i32 to index
        %get3A_460 = arith.index_cast %add3A_457 : i32 to index
        %get3A_461 = arith.constant 32 : index
        %get3A_462 = tpu.vector_load %arg7[%get3A_459, %get3A_460, %get3A_461] {strides = array<i32>} : memref<2x256x64xf32, #tpu.memory_space<vmem>>, vector<16xf32>,
        %add3A_463 = arith.addf %add3A_455, %get3A_462 : vector<16xf32>
        %add3A_464 = arith.constant 4 : i32
        %add3A_465 = arith.addi %mul3A_346, %add3A_464 : i32
        %get3A_466 = arith.constant 1 : i32
        %get3A_467 = arith.index_cast %get3A_466 : i32 to index
        %get3A_468 = arith.index_cast %add3A_465 : i32 to index
        %get3A_469 = arith.constant 32 : index
        %get3A_470 = tpu.vector_load %arg7[%get3A_467, %get3A_468, %get3A_469] {strides = array<i32>} : memref<2x256x64xf32, #tpu.memory_space<vmem>>, vector<16xf32>,
        %add3A_471 = arith.addf %add3A_463, %get3A_470 : vector<16xf32>
        %mul3A_472 = arith.constant 64 : i32
        %mul3A_473 = arith.muli %while3A_344, %mul3A_472 : i32
        %add3A_474 = arith.constant 32 : i32
        %add3A_475 = arith.addi %mul3A_473, %add3A_474 : i32
        %swap3A_476 = arith.constant 1 : i32
        %swap3A_477 = arith.index_cast %swap3A_476 : i32 to index
        %swap3A_478 = arith.index_cast %add3A_475 : i32 to index
        %swap3A_479 = tpu.vector_load %arg8[%swap3A_477, %swap3A_478] {strides = array<i32>} : memref<2x3200xf32, #tpu.memory_space<vmem>>, vector<16xf32>,
        tpu.vector_store %arg8[%swap3A_477, %swap3A_478], %add3A_471 {strides = array<i32>} : memref<2x3200xf32, #tpu.memory_space<vmem>>, vector<16xf32>,
        %get3A_480 = arith.constant 1 : i32
        %get3A_481 = arith.index_cast %get3A_480 : i32 to index
        %get3A_482 = arith.index_cast %mul3A_346 : i32 to index
        %get3A_483 = arith.constant 48 : index
        %get3A_484 = tpu.vector_load %arg7[%get3A_481, %get3A_482, %get3A_483] {strides = array<i32>} : memref<2x256x64xf32, #tpu.memory_space<vmem>>, vector<16xf32>,
        %add3A_485 = arith.constant 1 : i32
        %add3A_486 = arith.addi %mul3A_346, %add3A_485 : i32
        %get3A_487 = arith.constant 1 : i32
        %get3A_488 = arith.index_cast %get3A_487 : i32 to index
        %get3A_489 = arith.index_cast %add3A_486 : i32 to index
        %get3A_490 = arith.constant 48 : index
        %get3A_491 = tpu.vector_load %arg7[%get3A_488, %get3A_489, %get3A_490] {strides = array<i32>} : memref<2x256x64xf32, #tpu.memory_space<vmem>>, vector<16xf32>,
        %add3A_492 = arith.addf %get3A_484, %get3A_491 : vector<16xf32>
        %add3A_493 = arith.constant 2 : i32
        %add3A_494 = arith.addi %mul3A_346, %add3A_493 : i32
        %get3A_495 = arith.constant 1 : i32
        %get3A_496 = arith.index_cast %get3A_495 : i32 to index
        %get3A_497 = arith.index_cast %add3A_494 : i32 to index
        %get3A_498 = arith.constant 48 : index
        %get3A_499 = tpu.vector_load %arg7[%get3A_496, %get3A_497, %get3A_498] {strides = array<i32>} : memref<2x256x64xf32, #tpu.memory_space<vmem>>, vector<16xf32>,
        %add3A_500 = arith.addf %add3A_492, %get3A_499 : vector<16xf32>
        %add3A_501 = arith.constant 3 : i32
        %add3A_502 = arith.addi %mul3A_346, %add3A_501 : i32
        %get3A_503 = arith.constant 1 : i32
        %get3A_504 = arith.index_cast %get3A_503 : i32 to index
        %get3A_505 = arith.index_cast %add3A_502 : i32 to index
        %get3A_506 = arith.constant 48 : index
        %get3A_507 = tpu.vector_load %arg7[%get3A_504, %get3A_505, %get3A_506] {strides = array<i32>} : memref<2x256x64xf32, #tpu.memory_space<vmem>>, vector<16xf32>,
        %add3A_508 = arith.addf %add3A_500, %get3A_507 : vector<16xf32>
        %add3A_509 = arith.constant 4 : i32
        %add3A_510 = arith.addi %mul3A_346, %add3A_509 : i32
        %get3A_511 = arith.constant 1 : i32
        %get3A_512 = arith.index_cast %get3A_511 : i32 to index
        %get3A_513 = arith.index_cast %add3A_510 : i32 to index
        %get3A_514 = arith.constant 48 : index
        %get3A_515 = tpu.vector_load %arg7[%get3A_512, %get3A_513, %get3A_514] {strides = array<i32>} : memref<2x256x64xf32, #tpu.memory_space<vmem>>, vector<16xf32>,
        %add3A_516 = arith.addf %add3A_508, %get3A_515 : vector<16xf32>
        %mul3A_517 = arith.constant 64 : i32
        %mul3A_518 = arith.muli %while3A_344, %mul3A_517 : i32
        %add3A_519 = arith.constant 48 : i32
        %add3A_520 = arith.addi %mul3A_518, %add3A_519 : i32
        %swap3A_521 = arith.constant 1 : i32
        %swap3A_522 = arith.index_cast %swap3A_521 : i32 to index
        %swap3A_523 = arith.index_cast %add3A_520 : i32 to index
        %swap3A_524 = tpu.vector_load %arg8[%swap3A_522, %swap3A_523] {strides = array<i32>} : memref<2x3200xf32, #tpu.memory_space<vmem>>, vector<16xf32>,
        tpu.vector_store %arg8[%swap3A_522, %swap3A_523], %add3A_516 {strides = array<i32>} : memref<2x3200xf32, #tpu.memory_space<vmem>>, vector<16xf32>,
      }
      %while3A_320 = arith.constant 1 : i32
      scf.for %while3A_344 = %while3A_318 to %while3A_314 step %while3A_320  : i32 {
        %mul3A_345 = arith.constant 5 : i32
        %mul3A_346 = arith.muli %while3A_344, %mul3A_345 : i32
        %get3A = arith.constant 1 : i32
        %get3A_347 = arith.index_cast %get3A : i32 to index
        %get3A_348 = arith.index_cast %mul3A_346 : i32 to index
        %get3A_349 = arith.constant 0 : index
        %get3A_350 = tpu.vector_load %arg7[%get3A_347, %get3A_348, %get3A_349] {strides = array<i32>} : memref<2x256x64xf32, #tpu.memory_space<vmem>>, vector<16xf32>,
        %add3A_351 = arith.constant 1 : i32
        %add3A_352 = arith.addi %mul3A_346, %add3A_351 : i32
        %get3A_353 = arith.constant 1 : i32
        %get3A_354 = arith.index_cast %get3A_353 : i32 to index
        %get3A_355 = arith.index_cast %add3A_352 : i32 to index
        %get3A_356 = arith.constant 0 : index
        %get3A_357 = tpu.vector_load %arg7[%get3A_354, %get3A_355, %get3A_356] {strides = array<i32>} : memref<2x256x64xf32, #tpu.memory_space<vmem>>, vector<16xf32>,
        %add3A_358 = arith.addf %get3A_350, %get3A_357 : vector<16xf32>
        %add3A_359 = arith.constant 2 : i32
        %add3A_360 = arith.addi %mul3A_346, %add3A_359 : i32
        %get3A_361 = arith.constant 1 : i32
        %get3A_362 = arith.index_cast %get3A_361 : i32 to index
        %get3A_363 = arith.index_cast %add3A_360 : i32 to index
        %get3A_364 = arith.constant 0 : index
        %get3A_365 = tpu.vector_load %arg7[%get3A_362, %get3A_363, %get3A_364] {strides = array<i32>} : memref<2x256x64xf32, #tpu.memory_space<vmem>>, vector<16xf32>,
        %add3A_366 = arith.addf %add3A_358, %get3A_365 : vector<16xf32>
        %add3A_367 = arith.constant 3 : i32
        %add3A_368 = arith.addi %mul3A_346, %add3A_367 : i32
        %get3A_369 = arith.constant 1 : i32
        %get3A_370 = arith.index_cast %get3A_369 : i32 to index
        %get3A_371 = arith.index_cast %add3A_368 : i32 to index
        %get3A_372 = arith.constant 0 : index
        %get3A_373 = tpu.vector_load %arg7[%get3A_370, %get3A_371, %get3A_372] {strides = array<i32>} : memref<2x256x64xf32, #tpu.memory_space<vmem>>, vector<16xf32>,
        %add3A_374 = arith.addf %add3A_366, %get3A_373 : vector<16xf32>
        %add3A_375 = arith.constant 4 : i32
        %add3A_376 = arith.addi %mul3A_346, %add3A_375 : i32
        %get3A_377 = arith.constant 1 : i32
        %get3A_378 = arith.index_cast %get3A_377 : i32 to index
        %get3A_379 = arith.index_cast %add3A_376 : i32 to index
        %get3A_380 = arith.constant 0 : index
        %get3A_381 = tpu.vector_load %arg7[%get3A_378, %get3A_379, %get3A_380] {strides = array<i32>} : memref<2x256x64xf32, #tpu.memory_space<vmem>>, vector<16xf32>,
        %add3A_382 = arith.addf %add3A_374, %get3A_381 : vector<16xf32>
        %mul3A_383 = arith.constant 64 : i32
        %mul3A_384 = arith.muli %while3A_344, %mul3A_383 : i32
        %add3A_385 = arith.constant 0 : i32
        %add3A_386 = arith.addi %mul3A_384, %add3A_385 : i32
        %swap3A = arith.constant 1 : i32
        %swap3A_387 = arith.index_cast %swap3A : i32 to index
        %swap3A_388 = arith.index_cast %add3A_386 : i32 to index
        %swap3A_389 = tpu.vector_load %arg8[%swap3A_387, %swap3A_388] {strides = array<i32>} : memref<2x3200xf32, #tpu.memory_space<vmem>>, vector<16xf32>,
        tpu.vector_store %arg8[%swap3A_387, %swap3A_388], %add3A_382 {strides = array<i32>} : memref<2x3200xf32, #tpu.memory_space<vmem>>, vector<16xf32>,
        %get3A_390 = arith.constant 1 : i32
        %get3A_391 = arith.index_cast %get3A_390 : i32 to index
        %get3A_392 = arith.index_cast %mul3A_346 : i32 to index
        %get3A_393 = arith.constant 16 : index
        %get3A_394 = tpu.vector_load %arg7[%get3A_391, %get3A_392, %get3A_393] {strides = array<i32>} : memref<2x256x64xf32, #tpu.memory_space<vmem>>, vector<16xf32>,
        %add3A_395 = arith.constant 1 : i32
        %add3A_396 = arith.addi %mul3A_346, %add3A_395 : i32
        %get3A_397 = arith.constant 1 : i32
        %get3A_398 = arith.index_cast %get3A_397 : i32 to index
        %get3A_399 = arith.index_cast %add3A_396 : i32 to index
        %get3A_400 = arith.constant 16 : index
        %get3A_401 = tpu.vector_load %arg7[%get3A_398, %get3A_399, %get3A_400] {strides = array<i32>} : memref<2x256x64xf32, #tpu.memory_space<vmem>>, vector<16xf32>,
        %add3A_402 = arith.addf %get3A_394, %get3A_401 : vector<16xf32>
        %add3A_403 = arith.constant 2 : i32
        %add3A_404 = arith.addi %mul3A_346, %add3A_403 : i32
        %get3A_405 = arith.constant 1 : i32
        %get3A_406 = arith.index_cast %get3A_405 : i32 to index
        %get3A_407 = arith.index_cast %add3A_404 : i32 to index
        %get3A_408 = arith.constant 16 : index
        %get3A_409 = tpu.vector_load %arg7[%get3A_406, %get3A_407, %get3A_408] {strides = array<i32>} : memref<2x256x64xf32, #tpu.memory_space<vmem>>, vector<16xf32>,
        %add3A_410 = arith.addf %add3A_402, %get3A_409 : vector<16xf32>
        %add3A_411 = arith.constant 3 : i32
        %add3A_412 = arith.addi %mul3A_346, %add3A_411 : i32
        %get3A_413 = arith.constant 1 : i32
        %get3A_414 = arith.index_cast %get3A_413 : i32 to index
        %get3A_415 = arith.index_cast %add3A_412 : i32 to index
        %get3A_416 = arith.constant 16 : index
        %get3A_417 = tpu.vector_load %arg7[%get3A_414, %get3A_415, %get3A_416] {strides = array<i32>} : memref<2x256x64xf32, #tpu.memory_space<vmem>>, vector<16xf32>,
        %add3A_418 = arith.addf %add3A_410, %get3A_417 : vector<16xf32>
        %add3A_419 = arith.constant 4 : i32
        %add3A_420 = arith.addi %mul3A_346, %add3A_419 : i32
        %get3A_421 = arith.constant 1 : i32
        %get3A_422 = arith.index_cast %get3A_421 : i32 to index
        %get3A_423 = arith.index_cast %add3A_420 : i32 to index
        %get3A_424 = arith.constant 16 : index
        %get3A_425 = tpu.vector_load %arg7[%get3A_422, %get3A_423, %get3A_424] {strides = array<i32>} : memref<2x256x64xf32, #tpu.memory_space<vmem>>, vector<16xf32>,
        %add3A_426 = arith.addf %add3A_418, %get3A_425 : vector<16xf32>
        %mul3A_427 = arith.constant 64 : i32
        %mul3A_428 = arith.muli %while3A_344, %mul3A_427 : i32
        %add3A_429 = arith.constant 16 : i32
        %add3A_430 = arith.addi %mul3A_428, %add3A_429 : i32
        %swap3A_431 = arith.constant 1 : i32
        %swap3A_432 = arith.index_cast %swap3A_431 : i32 to index
        %swap3A_433 = arith.index_cast %add3A_430 : i32 to index
        %swap3A_434 = tpu.vector_load %arg8[%swap3A_432, %swap3A_433] {strides = array<i32>} : memref<2x3200xf32, #tpu.memory_space<vmem>>, vector<16xf32>,
        tpu.vector_store %arg8[%swap3A_432, %swap3A_433], %add3A_426 {strides = array<i32>} : memref<2x3200xf32, #tpu.memory_space<vmem>>, vector<16xf32>,
        %get3A_435 = arith.constant 1 : i32
        %get3A_436 = arith.index_cast %get3A_435 : i32 to index
        %get3A_437 = arith.index_cast %mul3A_346 : i32 to index
        %get3A_438 = arith.constant 32 : index
        %get3A_439 = tpu.vector_load %arg7[%get3A_436, %get3A_437, %get3A_438] {strides = array<i32>} : memref<2x256x64xf32, #tpu.memory_space<vmem>>, vector<16xf32>,
        %add3A_440 = arith.constant 1 : i32
        %add3A_441 = arith.addi %mul3A_346, %add3A_440 : i32
        %get3A_442 = arith.constant 1 : i32
        %get3A_443 = arith.index_cast %get3A_442 : i32 to index
        %get3A_444 = arith.index_cast %add3A_441 : i32 to index
        %get3A_445 = arith.constant 32 : index
        %get3A_446 = tpu.vector_load %arg7[%get3A_443, %get3A_444, %get3A_445] {strides = array<i32>} : memref<2x256x64xf32, #tpu.memory_space<vmem>>, vector<16xf32>,
        %add3A_447 = arith.addf %get3A_439, %get3A_446 : vector<16xf32>
        %add3A_448 = arith.constant 2 : i32
        %add3A_449 = arith.addi %mul3A_346, %add3A_448 : i32
        %get3A_450 = arith.constant 1 : i32
        %get3A_451 = arith.index_cast %get3A_450 : i32 to index
        %get3A_452 = arith.index_cast %add3A_449 : i32 to index
        %get3A_453 = arith.constant 32 : index
        %get3A_454 = tpu.vector_load %arg7[%get3A_451, %get3A_452, %get3A_453] {strides = array<i32>} : memref<2x256x64xf32, #tpu.memory_space<vmem>>, vector<16xf32>,
        %add3A_455 = arith.addf %add3A_447, %get3A_454 : vector<16xf32>
        %add3A_456 = arith.constant 3 : i32
        %add3A_457 = arith.addi %mul3A_346, %add3A_456 : i32
        %get3A_458 = arith.constant 1 : i32
        %get3A_459 = arith.index_cast %get3A_458 : i32 to index
        %get3A_460 = arith.index_cast %add3A_457 : i32 to index
        %get3A_461 = arith.constant 32 : index
        %get3A_462 = tpu.vector_load %arg7[%get3A_459, %get3A_460, %get3A_461] {strides = array<i32>} : memref<2x256x64xf32, #tpu.memory_space<vmem>>, vector<16xf32>,
        %add3A_463 = arith.addf %add3A_455, %get3A_462 : vector<16xf32>
        %add3A_464 = arith.constant 4 : i32
        %add3A_465 = arith.addi %mul3A_346, %add3A_464 : i32
        %get3A_466 = arith.constant 1 : i32
        %get3A_467 = arith.index_cast %get3A_466 : i32 to index
        %get3A_468 = arith.index_cast %add3A_465 : i32 to index
        %get3A_469 = arith.constant 32 : index
        %get3A_470 = tpu.vector_load %arg7[%get3A_467, %get3A_468, %get3A_469] {strides = array<i32>} : memref<2x256x64xf32, #tpu.memory_space<vmem>>, vector<16xf32>,
        %add3A_471 = arith.addf %add3A_463, %get3A_470 : vector<16xf32>
        %mul3A_472 = arith.constant 64 : i32
        %mul3A_473 = arith.muli %while3A_344, %mul3A_472 : i32
        %add3A_474 = arith.constant 32 : i32
        %add3A_475 = arith.addi %mul3A_473, %add3A_474 : i32
        %swap3A_476 = arith.constant 1 : i32
        %swap3A_477 = arith.index_cast %swap3A_476 : i32 to index
        %swap3A_478 = arith.index_cast %add3A_475 : i32 to index
        %swap3A_479 = tpu.vector_load %arg8[%swap3A_477, %swap3A_478] {strides = array<i32>} : memref<2x3200xf32, #tpu.memory_space<vmem>>, vector<16xf32>,
        tpu.vector_store %arg8[%swap3A_477, %swap3A_478], %add3A_471 {strides = array<i32>} : memref<2x3200xf32, #tpu.memory_space<vmem>>, vector<16xf32>,
        %get3A_480 = arith.constant 1 : i32
        %get3A_481 = arith.index_cast %get3A_480 : i32 to index
        %get3A_482 = arith.index_cast %mul3A_346 : i32 to index
        %get3A_483 = arith.constant 48 : index
        %get3A_484 = tpu.vector_load %arg7[%get3A_481, %get3A_482, %get3A_483] {strides = array<i32>} : memref<2x256x64xf32, #tpu.memory_space<vmem>>, vector<16xf32>,
        %add3A_485 = arith.constant 1 : i32
        %add3A_486 = arith.addi %mul3A_346, %add3A_485 : i32
        %get3A_487 = arith.constant 1 : i32
        %get3A_488 = arith.index_cast %get3A_487 : i32 to index
        %get3A_489 = arith.index_cast %add3A_486 : i32 to index
        %get3A_490 = arith.constant 48 : index
        %get3A_491 = tpu.vector_load %arg7[%get3A_488, %get3A_489, %get3A_490] {strides = array<i32>} : memref<2x256x64xf32, #tpu.memory_space<vmem>>, vector<16xf32>,
        %add3A_492 = arith.addf %get3A_484, %get3A_491 : vector<16xf32>
        %add3A_493 = arith.constant 2 : i32
        %add3A_494 = arith.addi %mul3A_346, %add3A_493 : i32
        %get3A_495 = arith.constant 1 : i32
        %get3A_496 = arith.index_cast %get3A_495 : i32 to index
        %get3A_497 = arith.index_cast %add3A_494 : i32 to index
        %get3A_498 = arith.constant 48 : index
        %get3A_499 = tpu.vector_load %arg7[%get3A_496, %get3A_497, %get3A_498] {strides = array<i32>} : memref<2x256x64xf32, #tpu.memory_space<vmem>>, vector<16xf32>,
        %add3A_500 = arith.addf %add3A_492, %get3A_499 : vector<16xf32>
        %add3A_501 = arith.constant 3 : i32
        %add3A_502 = arith.addi %mul3A_346, %add3A_501 : i32
        %get3A_503 = arith.constant 1 : i32
        %get3A_504 = arith.index_cast %get3A_503 : i32 to index
        %get3A_505 = arith.index_cast %add3A_502 : i32 to index
        %get3A_506 = arith.constant 48 : index
        %get3A_507 = tpu.vector_load %arg7[%get3A_504, %get3A_505, %get3A_506] {strides = array<i32>} : memref<2x256x64xf32, #tpu.memory_space<vmem>>, vector<16xf32>,
        %add3A_508 = arith.addf %add3A_500, %get3A_507 : vector<16xf32>
        %add3A_509 = arith.constant 4 : i32
        %add3A_510 = arith.addi %mul3A_346, %add3A_509 : i32
        %get3A_511 = arith.constant 1 : i32
        %get3A_512 = arith.index_cast %get3A_511 : i32 to index
        %get3A_513 = arith.index_cast %add3A_510 : i32 to index
        %get3A_514 = arith.constant 48 : index
        %get3A_515 = tpu.vector_load %arg7[%get3A_512, %get3A_513, %get3A_514] {strides = array<i32>} : memref<2x256x64xf32, #tpu.memory_space<vmem>>, vector<16xf32>,
        %add3A_516 = arith.addf %add3A_508, %get3A_515 : vector<16xf32>
        %mul3A_517 = arith.constant 64 : i32
        %mul3A_518 = arith.muli %while3A_344, %mul3A_517 : i32
        %add3A_519 = arith.constant 48 : i32
        %add3A_520 = arith.addi %mul3A_518, %add3A_519 : i32
        %swap3A_521 = arith.constant 1 : i32
        %swap3A_522 = arith.index_cast %swap3A_521 : i32 to index
        %swap3A_523 = arith.index_cast %add3A_520 : i32 to index
        %swap3A_524 = tpu.vector_load %arg8[%swap3A_522, %swap3A_523] {strides = array<i32>} : memref<2x3200xf32, #tpu.memory_space<vmem>>, vector<16xf32>,
        tpu.vector_store %arg8[%swap3A_522, %swap3A_523], %add3A_516 {strides = array<i32>} : memref<2x3200xf32, #tpu.memory_space<vmem>>, vector<16xf32>,
      }
      %broadcast_in_dim3A_321 = arith.constant 0.000000e+00 : f32
      %broadcast_in_dim3A_322 = vector.broadcast %broadcast_in_dim3A_321 : f32 to vector<16xf32>
      %while3A_323 = arith.constant 50 : i32
      %while3A_324 = arith.subi %while3A_323, %squeeze3A_240 : i32
      %while3A_325 = arith.addi %squeeze3A_240, %while3A_324 : i32
      %while3A_326 = arith.constant 1 : i32
      %while3A_327 = arith.divsi %while3A_324, %while3A_326 : i32
      %while3A_328 = arith.muli %while3A_327, %while3A_326 : i32
      %while3A_329 = arith.addi %squeeze3A_240, %while3A_328 : i32
      %while3A_330 = arith.constant 1 : i32
      scf.for %while3A_344 = %squeeze3A_240 to %while3A_329 step %while3A_330  : i32 {
        %mul3A_345 = arith.constant 64 : i32
        %mul3A_346 = arith.muli %while3A_344, %mul3A_345 : i32
        %add3A_347 = arith.constant 0 : i32
        %add3A_348 = arith.addi %mul3A_346, %add3A_347 : i32
        %swap3A = arith.constant 1 : i32
        %swap3A_349 = arith.index_cast %swap3A : i32 to index
        %swap3A_350 = arith.index_cast %add3A_348 : i32 to index
        %swap3A_351 = tpu.vector_load %arg8[%swap3A_349, %swap3A_350] {strides = array<i32>} : memref<2x3200xf32, #tpu.memory_space<vmem>>, vector<16xf32>,
        tpu.vector_store %arg8[%swap3A_349, %swap3A_350], %broadcast_in_dim3A_322 {strides = array<i32>} : memref<2x3200xf32, #tpu.memory_space<vmem>>, vector<16xf32>,
        %mul3A_352 = arith.constant 64 : i32
        %mul3A_353 = arith.muli %while3A_344, %mul3A_352 : i32
        %add3A_354 = arith.constant 16 : i32
        %add3A_355 = arith.addi %mul3A_353, %add3A_354 : i32
        %swap3A_356 = arith.constant 1 : i32
        %swap3A_357 = arith.index_cast %swap3A_356 : i32 to index
        %swap3A_358 = arith.index_cast %add3A_355 : i32 to index
        %swap3A_359 = tpu.vector_load %arg8[%swap3A_357, %swap3A_358] {strides = array<i32>} : memref<2x3200xf32, #tpu.memory_space<vmem>>, vector<16xf32>,
        tpu.vector_store %arg8[%swap3A_357, %swap3A_358], %broadcast_in_dim3A_322 {strides = array<i32>} : memref<2x3200xf32, #tpu.memory_space<vmem>>, vector<16xf32>,
        %mul3A_360 = arith.constant 64 : i32
        %mul3A_361 = arith.muli %while3A_344, %mul3A_360 : i32
        %add3A_362 = arith.constant 32 : i32
        %add3A_363 = arith.addi %mul3A_361, %add3A_362 : i32
        %swap3A_364 = arith.constant 1 : i32
        %swap3A_365 = arith.index_cast %swap3A_364 : i32 to index
        %swap3A_366 = arith.index_cast %add3A_363 : i32 to index
        %swap3A_367 = tpu.vector_load %arg8[%swap3A_365, %swap3A_366] {strides = array<i32>} : memref<2x3200xf32, #tpu.memory_space<vmem>>, vector<16xf32>,
        tpu.vector_store %arg8[%swap3A_365, %swap3A_366], %broadcast_in_dim3A_322 {strides = array<i32>} : memref<2x3200xf32, #tpu.memory_space<vmem>>, vector<16xf32>,
        %mul3A_368 = arith.constant 64 : i32
        %mul3A_369 = arith.muli %while3A_344, %mul3A_368 : i32
        %add3A_370 = arith.constant 48 : i32
        %add3A_371 = arith.addi %mul3A_369, %add3A_370 : i32
        %swap3A_372 = arith.constant 1 : i32
        %swap3A_373 = arith.index_cast %swap3A_372 : i32 to index
        %swap3A_374 = arith.index_cast %add3A_371 : i32 to index
        %swap3A_375 = tpu.vector_load %arg8[%swap3A_373, %swap3A_374] {strides = array<i32>} : memref<2x3200xf32, #tpu.memory_space<vmem>>, vector<16xf32>,
        tpu.vector_store %arg8[%swap3A_373, %swap3A_374], %broadcast_in_dim3A_322 {strides = array<i32>} : memref<2x3200xf32, #tpu.memory_space<vmem>>, vector<16xf32>,
      }
      %while3A_331 = arith.constant 1 : i32
      scf.for %while3A_344 = %while3A_329 to %while3A_325 step %while3A_331  : i32 {
        %mul3A_345 = arith.constant 64 : i32
        %mul3A_346 = arith.muli %while3A_344, %mul3A_345 : i32
        %add3A_347 = arith.constant 0 : i32
        %add3A_348 = arith.addi %mul3A_346, %add3A_347 : i32
        %swap3A = arith.constant 1 : i32
        %swap3A_349 = arith.index_cast %swap3A : i32 to index
        %swap3A_350 = arith.index_cast %add3A_348 : i32 to index
        %swap3A_351 = tpu.vector_load %arg8[%swap3A_349, %swap3A_350] {strides = array<i32>} : memref<2x3200xf32, #tpu.memory_space<vmem>>, vector<16xf32>,
        tpu.vector_store %arg8[%swap3A_349, %swap3A_350], %broadcast_in_dim3A_322 {strides = array<i32>} : memref<2x3200xf32, #tpu.memory_space<vmem>>, vector<16xf32>,
        %mul3A_352 = arith.constant 64 : i32
        %mul3A_353 = arith.muli %while3A_344, %mul3A_352 : i32
        %add3A_354 = arith.constant 16 : i32
        %add3A_355 = arith.addi %mul3A_353, %add3A_354 : i32
        %swap3A_356 = arith.constant 1 : i32
        %swap3A_357 = arith.index_cast %swap3A_356 : i32 to index
        %swap3A_358 = arith.index_cast %add3A_355 : i32 to index
        %swap3A_359 = tpu.vector_load %arg8[%swap3A_357, %swap3A_358] {strides = array<i32>} : memref<2x3200xf32, #tpu.memory_space<vmem>>, vector<16xf32>,
        tpu.vector_store %arg8[%swap3A_357, %swap3A_358], %broadcast_in_dim3A_322 {strides = array<i32>} : memref<2x3200xf32, #tpu.memory_space<vmem>>, vector<16xf32>,
        %mul3A_360 = arith.constant 64 : i32
        %mul3A_361 = arith.muli %while3A_344, %mul3A_360 : i32
        %add3A_362 = arith.constant 32 : i32
        %add3A_363 = arith.addi %mul3A_361, %add3A_362 : i32
        %swap3A_364 = arith.constant 1 : i32
        %swap3A_365 = arith.index_cast %swap3A_364 : i32 to index
        %swap3A_366 = arith.index_cast %add3A_363 : i32 to index
        %swap3A_367 = tpu.vector_load %arg8[%swap3A_365, %swap3A_366] {strides = array<i32>} : memref<2x3200xf32, #tpu.memory_space<vmem>>, vector<16xf32>,
        tpu.vector_store %arg8[%swap3A_365, %swap3A_366], %broadcast_in_dim3A_322 {strides = array<i32>} : memref<2x3200xf32, #tpu.memory_space<vmem>>, vector<16xf32>,
        %mul3A_368 = arith.constant 64 : i32
        %mul3A_369 = arith.muli %while3A_344, %mul3A_368 : i32
        %add3A_370 = arith.constant 48 : i32
        %add3A_371 = arith.addi %mul3A_369, %add3A_370 : i32
        %swap3A_372 = arith.constant 1 : i32
        %swap3A_373 = arith.index_cast %swap3A_372 : i32 to index
        %swap3A_374 = arith.index_cast %add3A_371 : i32 to index
        %swap3A_375 = tpu.vector_load %arg8[%swap3A_373, %swap3A_374] {strides = array<i32>} : memref<2x3200xf32, #tpu.memory_space<vmem>>, vector<16xf32>,
        tpu.vector_store %arg8[%swap3A_373, %swap3A_374], %broadcast_in_dim3A_322 {strides = array<i32>} : memref<2x3200xf32, #tpu.memory_space<vmem>>, vector<16xf32>,
      }
      %add3A_332 = arith.addi %mul3A_2, %add3A_233 : i32
      %mul3A_333 = arith.constant 3200 : i32
      %mul3A_334 = arith.muli %add3A_332, %mul3A_333 : i32
      %dma_start3A_335 = arith.constant 1 : i32
      %dma_start3A_336 = arith.constant 0 : i32
      %dma_start3A_337 = tpu.memref_slice %arg8[%dma_start3A_335, %dma_start3A_336] : memref<2x3200xf32, #tpu.memory_space<vmem>> -> memref<1x3200xf32, #tpu.memory_space<vmem>>
      %dma_start3A_338 = tpu.memref_squeeze %dma_start3A_337 : memref<1x3200xf32, #tpu.memory_space<vmem>> -> memref<3200xf32, #tpu.memory_space<vmem>>
      %dma_start3A_339 = tpu.memref_slice %arg5[%mul3A_334] : memref<13107200xf32, #tpu.memory_space<hbm>> -> memref<3200xf32, #tpu.memory_space<hbm>>
      %dma_start3A_340 = tpu.memref_slice %arg5[%mul3A_334] : memref<13107200xf32, #tpu.memory_space<hbm>> -> memref<3200xf32, #tpu.memory_space<hbm>>
      %dma_start3A_341 = arith.constant 0 : i32
      %dma_start3A_342 = tpu.memref_slice %arg8[%dma_start3A_335, %dma_start3A_341] : memref<2x3200xf32, #tpu.memory_space<vmem>> -> memref<1x3200xf32, #tpu.memory_space<vmem>>
      %dma_start3A_343 = tpu.memref_squeeze %dma_start3A_342 : memref<1x3200xf32, #tpu.memory_space<vmem>> -> memref<3200xf32, #tpu.memory_space<vmem>>
      tpu.enqueue_dma source(%dma_start3A_343 : memref<3200xf32, #tpu.memory_space<vmem>>) target(%dma_start3A_340 : memref<3200xf32, #tpu.memory_space<hbm>>) target_semaphore(%arg14 : memref<!tpu.dma_semaphore, #tpu.memory_space<semaphore_mem>>)
    }
    %scan3A_95 = arith.constant 64 : i32
    %add3A_96 = arith.constant 126 : i32
    %add3A_97 = arith.addi %mul3A_2, %add3A_96 : i32
    %mul3A_98 = arith.constant 3200 : i32
    %mul3A_99 = arith.muli %add3A_97, %mul3A_98 : i32
    %dma_wait3A_100 = arith.constant 0 : i32
    %dma_wait3A_101 = arith.constant 0 : i32
    %dma_wait3A_102 = tpu.memref_slice %arg8[%dma_wait3A_100, %dma_wait3A_101] : memref<2x3200xf32, #tpu.memory_space<vmem>> -> memref<1x3200xf32, #tpu.memory_space<vmem>>
    %dma_wait3A_103 = tpu.memref_squeeze %dma_wait3A_102 : memref<1x3200xf32, #tpu.memory_space<vmem>> -> memref<3200xf32, #tpu.memory_space<vmem>>
    %dma_wait3A_104 = tpu.memref_slice %arg5[%mul3A_99] : memref<13107200xf32, #tpu.memory_space<hbm>> -> memref<3200xf32, #tpu.memory_space<hbm>>
    %dma_wait3A_105 = tpu.memref_slice %arg5[%mul3A_99] : memref<13107200xf32, #tpu.memory_space<hbm>> -> memref<3200xf32, #tpu.memory_space<hbm>>
    %dma_wait3A_106 = arith.constant 0 : i32
    %dma_wait3A_107 = tpu.memref_slice %arg8[%dma_wait3A_100, %dma_wait3A_106] : memref<2x3200xf32, #tpu.memory_space<vmem>> -> memref<1x3200xf32, #tpu.memory_space<vmem>>
    %dma_wait3A_108 = tpu.memref_squeeze %dma_wait3A_107 : memref<1x3200xf32, #tpu.memory_space<vmem>> -> memref<3200xf32, #tpu.memory_space<vmem>>
    tpu.wait_dma2 semaphore(%arg14 : memref<!tpu.dma_semaphore, #tpu.memory_space<semaphore_mem>>) src(%dma_wait3A_108 : memref<3200xf32, #tpu.memory_space<vmem>>) dst(%dma_wait3A_105 : memref<3200xf32, #tpu.memory_space<hbm>>)
    %add3A_109 = arith.constant 127 : i32
    %add3A_110 = arith.addi %mul3A_2, %add3A_109 : i32
    %mul3A_111 = arith.constant 3200 : i32
    %mul3A_112 = arith.muli %add3A_110, %mul3A_111 : i32
    %dma_wait3A_113 = arith.constant 1 : i32
    %dma_wait3A_114 = arith.constant 0 : i32
    %dma_wait3A_115 = tpu.memref_slice %arg8[%dma_wait3A_113, %dma_wait3A_114] : memref<2x3200xf32, #tpu.memory_space<vmem>> -> memref<1x3200xf32, #tpu.memory_space<vmem>>
    %dma_wait3A_116 = tpu.memref_squeeze %dma_wait3A_115 : memref<1x3200xf32, #tpu.memory_space<vmem>> -> memref<3200xf32, #tpu.memory_space<vmem>>
    %dma_wait3A_117 = tpu.memref_slice %arg5[%mul3A_112] : memref<13107200xf32, #tpu.memory_space<hbm>> -> memref<3200xf32, #tpu.memory_space<hbm>>
    %dma_wait3A_118 = tpu.memref_slice %arg5[%mul3A_112] : memref<13107200xf32, #tpu.memory_space<hbm>> -> memref<3200xf32, #tpu.memory_space<hbm>>
    %dma_wait3A_119 = arith.constant 0 : i32
    %dma_wait3A_120 = tpu.memref_slice %arg8[%dma_wait3A_113, %dma_wait3A_119] : memref<2x3200xf32, #tpu.memory_space<vmem>> -> memref<1x3200xf32, #tpu.memory_space<vmem>>
    %dma_wait3A_121 = tpu.memref_squeeze %dma_wait3A_120 : memref<1x3200xf32, #tpu.memory_space<vmem>> -> memref<3200xf32, #tpu.memory_space<vmem>>
    tpu.wait_dma2 semaphore(%arg14 : memref<!tpu.dma_semaphore, #tpu.memory_space<semaphore_mem>>) src(%dma_wait3A_121 : memref<3200xf32, #tpu.memory_space<vmem>>) dst(%dma_wait3A_118 : memref<3200xf32, #tpu.memory_space<hbm>>)
    return
  }
}

</mosaic_0001>

<sc_bundles>
// kernel: kernel.3.cloned.1.call-start
scs
__scs_entry_jumppad:
0x0: {  	(pc) =	sbr.rel $0x88, $3  }
0x1: {  	(tag) =	ssettag $0x0;
	lr =	simm.s32 $0x1  }
0x2: {  	[smem:$0x3F9E] =	sst lr;
	_ =	strace $0xD0000000  }
0x3: {  	_ = 	snop  }
0x4: {  	_ = 	snop  }
0x5: {  	_ = 	snop  }
0x6: {  	_ = 	snop  }
0x7: {  	_ = 	snop  }
__scs_overlays_trampoline_lowered:
0x8: {  	[smem:$0x3FAD] =	sst s0  }
0x9: {  	[smem:$0x3FAE] =	sst s1  }
0xa: {  	[smem:$0x3FAF] =	sst s2  }
0xb: {  	[smem:$0x3FB0] =	sst s3  }
0xc: {  	[smem:$0x3FB1] =	sst s4  }
0xd: {  	[smem:$0x3FB2] =	sst s5  }
0xe: {  	[smem:$0x3FB3] =	sst s6  }
0xf: {  	[smem:$0x3FB4] =	sst s7  }
0x10: {  	[smem:$0x3FB5] =	sst s8  }
0x11: {  	[smem:$0x3FB6] =	sst s9;
	s0 =	simm.s32 @!p0 $0x0  }
0x12: {  	s1 =	sld [smem:$0x3F9C];
	s0 =	simm.s32 @p0 $0x1  }
0x13: {  	[smem:$0x3FB7] =	sst s0;
	s0 =	simm.s32 @!p1 $0x0  }
0x14: {  	s2 =	sld [smem:$0x3F9B];
	s0 =	simm.s32 @p1 $0x1  }
0x15: {  	[smem:$0x3FB8] =	sst s0;
	s0 =	simm.s32 @!p2 $0x0  }
0x16: {  	s3 =	sld [smem:$0x3FDB];
	s0 =	simm.s32 @p2 $0x1  }
0x17: {  	s4 =	simm.s32 $0x1BF5;
	[smem:$0x3FBA] =	sst s0  }
0x18: {  	s0 =	sld [smem:$0x3F9D];
	_ =	swait.ge [sflag:s4], $0x0  }
0x19: {  	s7 =	sld [smem:$0x3F9E]  }
0x1a: {  	s8 =	sadd.s32 $0xFFFFE003, lr  }
0x1b: {  	s9 =	sadd.s32 $0xFFFFFEF7, lr;
	s5 =	simm.s32 $0xFFFFFFFF;
	p2 =	slt.u32 s8, $0xFFFFF086  }
0x1c: {  	p1 =	slt.u32 s9, $0xF7A;
	s5 =	simm.s32 @!p2 $0x0  }
0x1d: {  	s5 =	simm.s32 @p1 $0x1;
	p0 =	seq.s32 s7, s2  }
0x1e: {  	s7 =	smul.u32 @!p0 $0xF7A, s2;
	p2 =	seq.s32 @!p0 s5, $0x0  }
0x1f: {  	s9 =	smul.u32 $0xF7A, s1;
	s8 =	simm.s32 @!p0 $0x1BF5;
	p2 =	por !p2, p0  }
0x20: {  	[sflag:s8] =	ssyncset.s32 @!p0 $0xFFFFF086;
	s6 =	sadd.s32 @!p0 s3, s7;
	s7 =	simm.s32 @!p0 $0x108  }
0x21: {  	s3 =	sadd.s32 s3, s9;
	s6 =	sadd.s32 @!p0 $0x88, s6;
	s7 =	simm.s32 @p2 $0x1082  }
0x22: {  	[simem:s7], [sflag:s8] =	dma.local @!p0 [hbm:s6], $0xF7A  }
0x23: {  	s9 =	sor.u32 $0xD0000000, s2;
	s6 =	simm.s32 $0x108;
	_ =	swait.ge @!p0 [sflag:s8], $0x0  }
0x24: {  	s3 =	sadd.s32 $0x88, s3;
	s6 =	simm.s32 @!p1 $0x1082;
	[sflag:s4] =	ssyncset.s32 $0xFFFFF086  }
0x25: {  	[simem:s6], [sflag:s4] =	dma.local [hbm:s3], $0xF7A  }
0x26: {  	[smem:$0x3F9E] =	sst s1;
	(tag) =	ssettag s2;
	_ =	strace s9  }
0x27: {  	s1 =	sld [smem:$0x3FAE]  }
0x28: {  	s2 =	sld [smem:$0x3FAF]  }
0x29: {  	s4 =	sld [smem:$0x3FB1]  }
0x2a: {  	p0 =	seq.s32 s5, $0x0;
	s5 =	sld [smem:$0x3FB2]  }
0x2b: {  	s6 =	sld [smem:$0x3FB3]  }
0x2c: {  	s7 =	sld [smem:$0x3FB4]  }
0x2d: {  	s3 =	simm.s32 $0x108;
	s8 =	sld [smem:$0x3FB5]  }
0x2e: {  	s3 =	simm.s32 @!p0 $0x1082;
	s9 =	sld [smem:$0x3FB6]  }
0x2f: {  	lr =	sadd.s32 s0, s3;
	s0 =	sld [smem:$0x3FAD]  }
0x30: {  	s3 =	sld [smem:$0x3FB0]  }
0x31: {  	[smem:$0x3FB9] =	sst s10  }
0x32: {  	s10 =	sld [smem:$0x3FB7];
	_ =	sdelay $0x3  }
0x33: {  	p0 =	seq.s32 s10, $0x1;
	s10 =	sld [smem:$0x3FB9];
	_ =	sdelay $0x3  }
0x34: {  	[smem:$0x3FB9] =	sst s10  }
0x35: {  	s10 =	sld [smem:$0x3FB8];
	_ =	sdelay $0x3  }
0x36: {  	p1 =	seq.s32 s10, $0x1;
	s10 =	sld [smem:$0x3FB9];
	_ =	sdelay $0x3  }
0x37: {  	[smem:$0x3FB9] =	sst s10  }
0x38: {  	s10 =	sld [smem:$0x3FBA]  }
0x39: {  	_ = 	snop;
	(pc) =	sbr.ind lr, $3  }
0x3a: {  	_ = 	snop  }
0x3b: {  	_ = 	snop  }
0x3c: {  	p2 =	seq.s32 s10, $0x1;
	s10 =	sld [smem:$0x3FB9]  }
0x3d: {  	_ =	shalt  }
0x3e: {  	_ =	shalt  }
0x3f: {  	_ =	shalt  }
0x40: {  	_ =	shalt  }
0x41: {  	_ =	shalt  }
0x42: {  	_ =	shalt  }
0x43: {  	_ =	shalt  }
0x44: {  	_ =	shalt  }
0x45: {  	_ =	shalt  }
0x46: {  	_ =	shalt  }
0x47: {  	_ =	shalt  }
0x48: {  	_ =	shalt  }
0x49: {  	_ =	shalt  }
0x4a: {  	_ =	shalt  }
0x4b: {  	_ =	shalt  }
0x4c: {  	_ =	shalt  }
0x4d: {  	_ =	shalt  }
0x4e: {  	_ =	shalt  }
0x4f: {  	_ =	shalt  }
0x50: {  	_ =	shalt  }
0x51: {  	_ =	shalt  }
0x52: {  	_ =	shalt  }
0x53: {  	_ =	shalt  }
0x54: {  	_ =	shalt  }
0x55: {  	_ =	shalt  }
0x56: {  	_ =	shalt  }
0x57: {  	_ =	shalt  }
0x58: {  	_ =	shalt  }
0x59: {  	_ =	shalt  }
0x5a: {  	_ =	shalt  }
0x5b: {  	_ =	shalt  }
0x5c: {  	_ =	shalt  }
0x5d: {  	_ =	shalt  }
0x5e: {  	_ =	shalt  }
0x5f: {  	_ =	shalt  }
0x60: {  	_ =	shalt  }
0x61: {  	_ =	shalt  }
0x62: {  	_ =	shalt  }
0x63: {  	_ =	shalt  }
0x64: {  	_ =	shalt  }
0x65: {  	_ =	shalt  }
0x66: {  	_ =	shalt  }
0x67: {  	_ =	shalt  }
0x68: {  	_ =	shalt  }
0x69: {  	_ =	shalt  }
0x6a: {  	_ =	shalt  }
0x6b: {  	_ =	shalt  }
0x6c: {  	_ =	shalt  }
0x6d: {  	_ =	shalt  }
0x6e: {  	_ =	shalt  }
0x6f: {  	_ =	shalt  }
0x70: {  	_ =	shalt  }
0x71: {  	_ =	shalt  }
0x72: {  	_ =	shalt  }
0x73: {  	_ =	shalt  }
0x74: {  	_ =	shalt  }
0x75: {  	_ =	shalt  }
0x76: {  	_ =	shalt  }
0x77: {  	_ =	shalt  }
0x78: {  	_ =	shalt  }
0x79: {  	_ =	shalt  }
0x7a: {  	_ =	shalt  }
0x7b: {  	_ =	shalt  }
0x7c: {  	_ =	shalt  }
0x7d: {  	_ =	shalt  }
0x7e: {  	_ =	shalt  }
0x7f: {  	_ =	shalt  }
0x80: {  	_ =	shalt  }
0x81: {  	_ =	shalt  }
0x82: {  	_ =	shalt  }
0x83: {  	_ =	shalt  }
0x84: {  	_ =	shalt  }
0x85: {  	_ =	shalt  }
0x86: {  	_ =	shalt  }
0x87: {  	_ =	shalt  }
.Lfunc_end0:
.L_simem_size_0:
called_computation.1_lowered:
.L_overlay_start_0:
0x88: {  	s2 =	sld [smem:$0x3FD9]  }
0x89: {  	s3 =	sld [smem:$0x3FFE];
	_ =	sdelay $0x1  }
0x8a: {  	s1 =	srdreg.scid  }
0x8b: {  	s0 =	sand.u32 $0x1, s1  }
0x8c: {  	s17 =	sshll.u32 s0, $0xA;
	s2 =	sadd.s32 s3, s2  }
0x8d: {  	s2 =	sadd.s32 s2, s17  }
0x8e: {  	[smem:$0x3FC5] =	sst s2  }
0x8f: {  	_ = 	snop  }
0x90: {  	s2 =	sld [smem:$0x3FC8]  }
0x91: {  	s18 =	sld [smem:$0x3FD0];
	(tm) =	ssettm $0x1  }
0x92: {  	s4 =	sld [smem:$0x3FFB];
	_ =	sdelay $0x3  }
0x93: {  	_ =	strace s4  }
0x94: {  	s4 =	sld [smem:$0x3FFC];
	_ =	sdelay $0x3  }
0x95: {  	_ =	strace s4  }
0x96: {  	s4 =	sld [smem:$0x3FFD];
	_ =	sdelay $0x3  }
0x97: {  	_ =	strace s4  }
0x98: {  	_ =	strace $0x8FFFFFFF  }
0x99: {  	s19 =	sld [smem:$0x3FDB];
	_ =	sdelay $0x1  }
0x9a: {  	s5 =	simm.s32 $_scs_section_size  }
0x9b: {  	s6 =	simm.s32 $_size__tile_overlayer_lowered;
	s7 =	simm.s32 $_tile_overlayer_lowered  }
0x9c: {  	s22 =	simm.s32 $0x1BFF;
	s21 =	sshll.u32 s7, $0x1;
	s4 =	sadd.s32 s5, s19  }
0x9d: {  	s8 =	simm.s32 $0x0;
	s20 =	sshll.u32 s6, $0x1;
	s6 =	sadd.s32 s21, s4  }
0x9e: {  	[timem:s8], [sflag:s22] =	dma.local [hbm:s6], s20  }
0x9f: {  	_ =	swait.ge [sflag:s22], s20  }
0xa0: {  	s5 =	ssub.s32 $0x0, s20;
	[sflag:s22] =	ssyncset.done $0x0  }
0xa1: {  	[sflag:s22] =	ssyncadd.s32 s5;
	_ =	sdelay $0x1  }
0xa2: {  	s23 =	simm.s32 $0x1B8B  }
0xa3: {  	_ =	swait.ge [sflag:s23], $0x1  }
0xa4: {  	[sflag:s23] =	ssyncset.done $0x0  }
0xa5: {  	s25 =	simm.s32 $0x1B8E;
	s24 =	sld [smem:$0x3FFE];
	[sflag:s23] =	ssyncadd.s32 $0xFFFFFFFF  }
0xa6: {  	s26 =	simm.s32 $execute0_lowered;
	[smem:$0x3FD2] =	sst s25  }
0xa7: {  	s6 =	sshll.u32 s26, $0x1;
	_ =	strace $0x80000046;
	[dreg:$0x1] =	wrdreg $0xFFFFFFFF  }
0xa8: {  	s28 =	simm.s32 $_size_execute0_lowered;
	s4 =	sadd.s32 s4, s6;
	[dreg:$0x0] =	wrdreg $0x0  }
0xa9: {  	s6 =	sshll.u32 s28, $0x1;
	[dreg:$0x2] =	wrdreg s4  }
0xaa: {  	[dreg:$0x3] =	wrdreg s6  }
0xab: {  	[dreg:$0x4] =	wrdreg $0xC0  }
0xac: {  	_ =	task [dreg:s8], $0x5FFFF  }
0xad: {  	[dreg:$0x1] =	wrdreg $0xFFFFFFFF  }
0xae: {  	[dreg:$0x0] =	wrdreg $0x60  }
0xaf: {  	[dreg:$0x2] =	wrdreg s24  }
0xb0: {  	[dreg:$0x3] =	wrdreg s2  }
0xb1: {  	[dreg:$0x4] =	wrdreg s18  }
0xb2: {  	[dreg:$0x5] =	wrdreg $0x9  }
0xb3: {  	_ =	task.clear_ibuf [dreg:s8], $0x6FFFF;
	_ =	strace $0x90000046  }
0xb4: {  	s29 =	simm.s32 $0x9;
	_ =	strace $0x80000048  }
0xb5: {  	_ =	swait.ge [sflag:s29], $0x1  }
0xb6: {  	[sflag:s29] =	ssyncadd.s32 $0xFFFFFFFF  }
0xb7: {  	_ =	strace $0x90000048  }
0xb8: {  	_ =	sfence  }
0xb9: {  	s30 =	sld [smem:$0x0];
	_ =	sdelay $0x2  }
0xba: {  	s31 =	sshll.u32 s1, $0xD;
	s1 =	sshrl.u32 s1, $0x2  }
0xbb: {  	s3 =	sand.u32 $0x4000, s31;
	s1 =	sadd.s32 s1, s30  }
0xbc: {  	s0 =	sor.u32 s3, s0;
	s1 =	sshll.u32 s1, $0x11  }
0xbd: {  	s0 =	sor.u32 s1, s0  }
0xbe: {  	s0 =	sadd.s32 $0x8F2B, s0  }
0xbf: {  	[sflag:s0] =	ssyncadd.remote.s32 $0x1  }
0xc0: {  	_ =	sfence.sel $0xFFFF  }
0xc1: {  	[dreg:$0x0] =	wrdreg $0xFFFFFFFF;
	(pc) =	sbr.abs _section_cstart, $3  }
0xc2: {  	[dreg:$0x1] =	wrdreg $0xFFFFFFFF  }
0xc3: {  	_ =	task.clear_ibuf [dreg:s8], $0x2FFFF;
	_ =	strace $0x9FFFFFFF  }
0xc4: {  	(tm) =	ssettm $0x7FFFFFFF  }
0xc5: {  	_ =	shalt  }
tec
execute0_lowered:
.L_overlay_start_1:
0x0: {  	(tag) =	ssettag $0x1  }
0x1: {  	s0 =	rddreg [dreg:$0x0]  }
0x2: {  	s2 =	rddreg [dreg:$0x1]  }
0x3: {  	s1 =	rddreg [dreg:$0x2];
	s3 =	simm.s32 $0x0  }
0x4: {  	s4 =	srdreg.scid;
	s5 =	stileid.u32;
	s12 =	simm.s32 $0x9B00  }
0x5: {  	s13 =	simm.s32 $0x6;
	s14 =	simm.s32 $0x1;
	s15 =	simm.s32 $0x20  }
0x6: {  	s16 =	simm.s32 $0x100;
	s17 =	simm.s32 $0x2;
	s18 =	simm.s32 $0x3  }
0x7: {  	s19 =	simm.s32 $0x8200;
	s20 =	simm.s32 $0x4;
	s21 =	simm.s32 $0x8E80  }
0x8: {  	s22 =	simm.s32 $0x5;
	s23 =	simm.s32 $0x0;
	[smem:$0x7FF] =	sst s3  }
0x9: {  	s6 =	sand.u32 $0x1, s4;
	s4 =	sadd.s32 $0x800, s0;
	s7 =	sshll.u32 s5, $0x8  }
.Ltmp0:
0xa: {  	s5 =	sadd.s32 $0x20800, s0;
	s8 =	sshll.u32 s6, $0x7;
	(pc) =	sbr.rel .LBB2_1-.Ltmp0, $4  }
0xb: {  	_ =	strace $0x80000047;
	s30 =	ssub.s32 $0x2, s6;
	s6 =	sor.u32 s8, s7  }
0xc: {  	s31 =	sshrl.u32 s30, $0x1;
	s8 =	sshrl.u32 s6, $0x3;
	s9 =	sshll.u32 s6, $0x5  }
0xd: {  	s0 =	ssub.s32 s30, s31;
	s7 =	sadd.s32 s2, s8;
	s8 =	sadd.s32 s4, s9  }
0xe: {  	v0 =	vimm.f32 $0.0e+00;
	s10 =	sor.u32 $0x3, s6;
	s11 =	smax.u32 s0, $0x1;
	s9 =	sadd.s32 $0x20, s8  }
.LBB2_37:
0xf: {  	s23 =	sadd.s32 $0x1, s23  }
0x10: {  	_ =	swait.ge [sflag:s22], $0xC80;
	p0 =	sne.s32 s23, s11  }
.Ltmp1:
0x11: {  	[sflag:s22] =	ssyncset.done $0x0;
	(pc) =	sbr.rel @!p0 .LBB2_38-.Ltmp1, $4  }
0x12: {  	[sflag:s22] =	ssyncadd.s32 $0xFFFFF380  }
0x13: {  	_ =	swait.ge [sflag:s22], $0xC80  }
0x14: {  	[sflag:s22] =	ssyncset.done $0x0  }
0x15: {  	[sflag:s22] =	ssyncadd.s32 $0xFFFFF380  }
.LBB2_1:
0x16: {  	[tilespmem:s12], [sflag:$0x6] =	stream.linear.gather [hbm4b:s7+s3], $0x80, $0x38;
	[tilespmem:$0x9B80] =	vst v63  }
0x17: {  	_ =	swait.ge [sflag:s13], $0x80  }
0x18: {  	[sflag:s13] =	ssyncset.done $0x0  }
0x19: {  	[sflag:s13] =	ssyncadd.s32 $0xFFFFFF80  }
0x1a: {  	[tilespmem:s3], [sflag:$0x1] =	stream.linear.gather [hbm4b:s8+s3], $0x100, $0x38;
	[tilespmem:$0x9B80] =	vst v63  }
0x1b: {  	_ =	swait.ge [sflag:s14], $0x100  }
0x1c: {  	[sflag:s14] =	ssyncset.done $0x0  }
0x1d: {  	[sflag:s14] =	ssyncadd.s32 $0xFFFFFF00  }
0x1e: {  	v1 =	vld.msk [tilespmem:s12+$0x0], $0xffff;
	_ =	sdelay $0x4  }
0x1f: {  	(v2sf) =	vpush v1, $0x0;
	_ =	sdelay $0xe  }
0x20: {  	s0 =	spop (v2sf)  }
0x21: {  	s0 =	smul.u32 $0x5, s0;
	_ =	sdelay $0x1  }
0x22: {  	s0 =	sadd.s32 $0x1F, s0  }
0x23: {  	s2 =	sand.u32 $0x1F, s0  }
0x24: {  	s31 =	sshra.s32 s0, $0x1F;
	p1 =	slt.s32 s0, $0x1;
	p0 =	sne.s32 s2, $0x0  }
0x25: {  	s2 =	sshrl.u32 s31, $0x1B;
	p0 =	por !p1, !p0  }
0x26: {  	s0 =	sadd.s32 s2, s0;
	s2 =	simm.s32 $0x1;
	p0 =	por !p0, !p0  }
0x27: {  	s0 =	sshra.s32 s0, $0x5;
	s2 =	simm.s32 @!p0 $0x0  }
0x28: {  	s2 =	ssub.s32 s0, s2  }
0x29: {  	p0 =	slt.s32 s2, $0x1  }
.Ltmp2:
0x2a: {  	_ = 	snop;
	(pc) =	sbr.rel @p0 .LBB2_4-.Ltmp2, $2  }
0x2b: {  	_ =	sdelay $0x2  }
0x2c: {  	s0 =	simm.s32 $0x200  }
0x2d: {  	p0 =	sne.s32 s2, $0x1  }
.Ltmp3:
0x2e: {  	_ = 	snop;
	(pc) =	sbr.rel @!p0 .LBB2_4-.Ltmp3, $3  }
0x2f: {  	_ =	sdelay $0x1  }
0x30: {  	[tilespmem:s0], [sflag:$0x3] =	stream.indirect.gather [hbm4b:s5+s15], $0x40, s3, s15, $0xb8;
	[tilespmem:$0x9B80] =	vst v63  }
0x31: {  	s2 =	sadd.s32 $0xFFFFFFFF, s2;
	s24 =	simm.s32 $0x0  }
.LBB2_3:
0x32: {  	p0 =	sne.s32 s2, $0x1  }
.Ltmp4:
0x33: {  	_ = 	snop;
	(pc) =	sbr.rel @p0 .LBB2_3-.Ltmp4, $4  }
0x34: {  	_ = 	snop  }
0x35: {  	s24 =	sadd.s32 $0x20, s24;
	s0 =	sadd.s32 $0x800, s0  }
0x36: {  	s2 =	sadd.s32 $0xFFFFFFFF, s2  }
0x37: {  	[tilespmem:s0], [sflag:$0x3] =	stream.indirect.gather [hbm4b:s5+s15], $0x40, s24, s15, $0xb8;
	[tilespmem:$0x9B80] =	vst v63  }
.LBB2_4:
.Ltmp5:
0x38: {  	(pc) =	sbr.rel .LBB2_5-.Ltmp5, $3  }
0x39: {  	_ =	sdelay $0x1  }
0x3a: {  	s24 =	simm.s32 $0x0  }
0x3b: {  	[tilespmem:s16], [sflag:$0x2] =	stream.linear.gather [hbm4b:s9+s24], $0x100, $0x38;
	[tilespmem:$0x9B80] =	vst v63  }
.LBB2_35:
0x3c: {  	[tilespmem:s0+$0xFFFFFFE0] =	vst v0  }
.LBB2_36:
0x3d: {  	s24 =	sadd.s32 $0x1, s24  }
0x3e: {  	p0 =	sne.s32 s24, $0x40  }
.Ltmp6:
0x3f: {  	s0 =	sadd.s32 s6, s25;
	(pc) =	sbr.rel @!p0 .LBB2_37-.Ltmp6, $3  }
0x40: {  	s0 =	smul.u32 $0x190, s0;
	_ =	sdelay $0x1  }
0x41: {  	s0 =	sadd.s32 s1, s0  }
0x42: {  	[hbm4b:s0+s3] =	stream.linear.scatter [tilespmem:s21], [sflag:$0x5], $0xC80, $0x38;
	[tilespmem:$0x9B80] =	vst v63  }
.LBB2_5:
0x43: {  	s26 =	sshll.u32 s24, $0x1  }
0x44: {  	v1 =	vmov s26  }
0x45: {  	v2 =	vbroadcast v1, $0x0  }
0x46: {  	s25 =	sshllo.u32 s24, $0x1  }
0x47: {  	v1 =	vmov s25;
	_ =	sdelay $0x3  }
0x48: {  	v2 =	vld.idx.msk [tilespmem:v2+s12+$0x0], $0xffff  }
0x49: {  	v3 =	vld.idx.msk [tilespmem:v1+s12+$0x0], $0xffff;
	_ =	sdelay $0x3  }
0x4a: {  	(v2sf) =	vpush v2, $0x0  }
0x4b: {  	(v2sf) =	vpush v3, $0x0;
	_ =	sdelay $0xd  }
0x4c: {  	s28 =	spop (v2sf)  }
0x4d: {  	s0 =	spop (v2sf)  }
0x4e: {  	s0 =	smul.u32 $0x5, s0;
	_ =	sdelay $0x1  }
0x4f: {  	s0 =	sadd.s32 $0x1F, s0  }
0x50: {  	s2 =	sand.u32 $0x1F, s0  }
0x51: {  	s31 =	sshra.s32 s0, $0x1F;
	p1 =	slt.s32 s0, $0x1;
	p0 =	sne.s32 s2, $0x0  }
0x52: {  	s2 =	sshrl.u32 s31, $0x1B;
	p0 =	por !p1, !p0  }
0x53: {  	s0 =	sadd.s32 s2, s0;
	s2 =	simm.s32 $0x1;
	p0 =	por !p0, !p0  }
0x54: {  	s0 =	sshra.s32 s0, $0x5;
	s2 =	simm.s32 @!p0 $0x0  }
0x55: {  	s29 =	ssub.s32 s0, s2  }
0x56: {  	p0 =	slt.s32 s29, $0x1  }
.Ltmp7:
0x57: {  	_ = 	snop;
	(pc) =	sbr.rel @p0 .LBB2_8-.Ltmp7, $4  }
0x58: {  	_ = 	snop  }
0x59: {  	_ =	swait.ge [sflag:s17], $0x100  }
0x5a: {  	[sflag:s17] =	ssyncset.done $0x0  }
0x5b: {  	[sflag:s17] =	ssyncadd.s32 $0xFFFFFF00  }
0x5c: {  	p0 =	sne.s32 s29, $0x1  }
.Ltmp8:
0x5d: {  	_ = 	snop;
	(pc) =	sbr.rel @!p0 .LBB2_8-.Ltmp8, $3  }
0x5e: {  	_ =	sdelay $0x1  }
0x5f: {  	s0 =	simm.s32 $0x100;
	s2 =	simm.s32 $0x4200;
	s29 =	sadd.s32 $0xFFFFFFFF, s29  }
0x60: {  	[tilespmem:s2], [sflag:$0x4] =	stream.indirect.gather [hbm4b:s5+s15], $0x40, s0, s15, $0xb8;
	[tilespmem:$0x9B80] =	vst v63  }
.LBB2_7:
0x61: {  	p0 =	sne.s32 s29, $0x1  }
.Ltmp9:
0x62: {  	_ = 	snop;
	(pc) =	sbr.rel @p0 .LBB2_7-.Ltmp9, $4  }
0x63: {  	_ = 	snop  }
0x64: {  	s0 =	sadd.s32 $0x20, s0;
	s2 =	sadd.s32 $0x800, s2  }
0x65: {  	s29 =	sadd.s32 $0xFFFFFFFF, s29  }
0x66: {  	[tilespmem:s2], [sflag:$0x4] =	stream.indirect.gather [hbm4b:s5+s15], $0x40, s0, s15, $0xb8;
	[tilespmem:$0x9B80] =	vst v63  }
.LBB2_8:
0x67: {  	s0 =	smul.u32 $0x5, s28;
	_ =	sdelay $0x1  }
0x68: {  	s0 =	sadd.s32 $0x1F, s0  }
0x69: {  	s2 =	sand.u32 $0x1F, s0  }
0x6a: {  	s29 =	sshra.s32 s0, $0x1F;
	p0 =	slt.s32 s0, $0x1;
	p1 =	sne.s32 s2, $0x0  }
0x6b: {  	s31 =	sshrl.u32 s29, $0x1B;
	p0 =	por !p0, !p1  }
0x6c: {  	s2 =	simm.s32 $0x1;
	s0 =	sadd.s32 s31, s0;
	p0 =	por !p0, !p0  }
0x6d: {  	s0 =	sshra.s32 s0, $0x5;
	s2 =	simm.s32 @!p0 $0x0  }
0x6e: {  	s0 =	ssub.s32 s0, s2  }
0x6f: {  	p0 =	slt.s32 s0, $0x1  }
.Ltmp10:
0x70: {  	_ = 	snop;
	(pc) =	sbr.rel @p0 .LBB2_12-.Ltmp10, $1  }
0x71: {  	_ =	sdelay $0x3  }
0x72: {  	p0 =	sne.s32 s0, $0x1  }
.Ltmp11:
0x73: {  	_ = 	snop;
	(pc) =	sbr.rel @!p0 .LBB2_11-.Ltmp11, $3  }
0x74: {  	_ =	sdelay $0x1  }
0x75: {  	_ =	swait.ge [sflag:s18], $0x800  }
0x76: {  	s0 =	sadd.s32 $0xFFFFFFFF, s0;
	[sflag:s18] =	ssyncset.done $0x0  }
.LBB2_10:
0x77: {  	p0 =	sne.s32 s0, $0x1;
	s0 =	sadd.s32 $0xFFFFFFFF, s0;
	[sflag:s18] =	ssyncadd.s32 $0xFFFFF800  }
.Ltmp12:
0x78: {  	(pc) =	sbr.rel @p0 .LBB2_10-.Ltmp12, $3  }
0x79: {  	_ =	sdelay $0x1  }
0x7a: {  	_ =	swait.ge [sflag:s18], $0x800  }
0x7b: {  	[sflag:s18] =	ssyncset.done $0x0  }
.LBB2_11:
0x7c: {  	[sflag:s18] =	ssyncadd.s32 $0xFFFFF800  }
.LBB2_12:
0x7d: {  	p0 =	seq.s32 s24, $0x3F  }
0x7e: {  	p1 =	seq.s32 @!p0 s24, $0x0  }
0x7f: {  	p1 =	por p0, !p1  }
.Ltmp13:
0x80: {  	s29 =	sadd.s32 $0x2, s26;
	(pc) =	sbr.rel @!p1 .LBB2_13-.Ltmp13, $4  }
0x81: {  	s0 =	sadd.s32 @!p0 s6, s29  }
0x82: {  	s0 =	sshll.u32 @!p0 s0, $0x5  }
0x83: {  	s2 =	simm.s32 @!p0 $0x0;
	s0 =	sadd.s32 @!p0 s4, s0  }
0x84: {  	[tilespmem:s2], [sflag:$0x1] =	stream.linear.gather @!p0 [hbm4b:s0+s2], $0x100, $0x38;
	[tilespmem:$0x9B80] =	vst v63  }
.Ltmp14:
0x85: {  	(pc) =	sbr.rel .LBB2_15-.Ltmp14, $4  }
0x86: {  	_ = 	snop  }
0x87: {  	_ =	swait.ge [sflag:s22], $0xC80  }
0x88: {  	[sflag:s22] =	ssyncset.done $0x0  }
0x89: {  	p1 =	por $0x0, $0x0;
	[sflag:s22] =	ssyncadd.s32 $0xFFFFF380  }
.LBB2_13:
0x8a: {  	p1 =	por @!p0 $0x1, $0x1  }
.LBB2_15:
0x8b: {  	p2 =	sgt.s32 s28, $0x0  }
.Ltmp15:
0x8c: {  	_ = 	snop;
	(pc) =	sbr.rel @!p2 .LBB2_19-.Ltmp15, $1  }
0x8d: {  	_ =	sdelay $0x3  }
0x8e: {  	s31 =	simm.s32 $0x2A0  }
0x8f: {  	v2 =	vld [tilespmem:s31+$0xFFFFFFA0]  }
0x90: {  	v3 =	vld [tilespmem:s31+$0xFFFFFF60];
	_ =	sdelay $0x1  }
0x91: {  	v4 =	vld [tilespmem:s31+$0xFFFFFFE0];
	_ =	sdelay $0x1  }
0x92: {  	v5 =	vld [tilespmem:s31+$0x20]  }
0x93: {  	v2 =	vadd.f32 v2, v3  }
0x94: {  	v3 =	vld [tilespmem:s31+$0x60]  }
0x95: {  	v2 =	vadd.f32 v4, v2;
	_ =	sdelay $0x1  }
0x96: {  	v2 =	vadd.f32 v5, v2;
	_ =	sdelay $0x1  }
0x97: {  	v2 =	vadd.f32 v3, v2  }
0x98: {  	s30 =	simm.s32 $0x8220  }
0x99: {  	[tilespmem:s30+$0xFFFFFFE0] =	vst v2  }
0x9a: {  	v2 =	vld [tilespmem:s31+$0xFFFFFF70]  }
0x9b: {  	v3 =	vld [tilespmem:s31+$0xFFFFFFB0];
	_ =	sdelay $0x1  }
0x9c: {  	v4 =	vld [tilespmem:s31+$0xFFFFFFF0];
	_ =	sdelay $0x1  }
0x9d: {  	v5 =	vld [tilespmem:s31+$0x30]  }
0x9e: {  	v2 =	vadd.f32 v3, v2  }
0x9f: {  	v3 =	vld [tilespmem:s31+$0x70]  }
0xa0: {  	v2 =	vadd.f32 v4, v2;
	_ =	sdelay $0x1  }
0xa1: {  	v2 =	vadd.f32 v5, v2;
	_ =	sdelay $0x1  }
0xa2: {  	v2 =	vadd.f32 v3, v2;
	_ =	sdelay $0x1  }
0xa3: {  	[tilespmem:s30+$0xFFFFFFF0] =	vst v2  }
0xa4: {  	v2 =	vld [tilespmem:s31+$0xFFFFFF80]  }
0xa5: {  	v3 =	vld [tilespmem:s31+$0xFFFFFFC0];
	_ =	sdelay $0x1  }
0xa6: {  	v4 =	vld [tilespmem:s31+$0x0];
	_ =	sdelay $0x1  }
0xa7: {  	v5 =	vld [tilespmem:s31+$0x40]  }
0xa8: {  	v2 =	vadd.f32 v3, v2  }
0xa9: {  	v3 =	vld [tilespmem:s31+$0x80]  }
0xaa: {  	v2 =	vadd.f32 v4, v2;
	_ =	sdelay $0x1  }
0xab: {  	v2 =	vadd.f32 v5, v2;
	_ =	sdelay $0x1  }
0xac: {  	v2 =	vadd.f32 v3, v2;
	_ =	sdelay $0x1  }
0xad: {  	[tilespmem:s30+$0x0] =	vst v2  }
0xae: {  	v2 =	vld [tilespmem:s31+$0xFFFFFF90]  }
0xaf: {  	v3 =	vld [tilespmem:s31+$0xFFFFFFD0];
	_ =	sdelay $0x2  }
0xb0: {  	p2 =	seq.s32 s28, $0x1;
	v4 =	vld [tilespmem:s31+$0x10]  }
.Ltmp16:
0xb1: {  	_ = 	snop;
	(pc) =	sbr.rel @p2 .LBB2_18-.Ltmp16, $3  }
0xb2: {  	v5 =	vadd.f32 v3, v2;
	v3 =	vld [tilespmem:s31+$0x50];
	_ =	sdelay $0x1  }
0xb3: {  	v2 =	vld [tilespmem:s31+$0x90]  }
0xb4: {  	s0 =	sadd.s32 $0xFFFFFFFF, s28;
	s2 =	simm.s32 $0x8220;
	v4 =	vadd.f32 v4, v5  }
.LBB2_17:
0xb5: {  	_ = 	snop  }
0xb6: {  	p2 =	seq.s32 s0, $0x1;
	s2 =	sadd.s32 $0x40, s2;
	s31 =	sadd.s32 $0x140, s31;
	v3 =	vadd.f32 v3, v4  }
0xb7: {  	s0 =	sadd.s32 $0xFFFFFFFF, s0  }
0xb8: {  	v2 =	vadd.f32 v2, v3;
	_ =	sdelay $0x1  }
0xb9: {  	[tilespmem:s30+$0x10] =	vst v2;
	s30 =	smov.u32 s2  }
0xba: {  	v2 =	vld [tilespmem:s31+$0xFFFFFFA0]  }
0xbb: {  	v3 =	vld [tilespmem:s31+$0xFFFFFF60];
	_ =	sdelay $0x1  }
0xbc: {  	v4 =	vld [tilespmem:s31+$0xFFFFFFE0];
	_ =	sdelay $0x1  }
0xbd: {  	v5 =	vld [tilespmem:s31+$0x20]  }
0xbe: {  	v2 =	vadd.f32 v2, v3  }
0xbf: {  	v3 =	vld [tilespmem:s31+$0x60]  }
0xc0: {  	v2 =	vadd.f32 v4, v2;
	_ =	sdelay $0x1  }
0xc1: {  	v2 =	vadd.f32 v5, v2;
	_ =	sdelay $0x1  }
0xc2: {  	v2 =	vadd.f32 v3, v2;
	_ =	sdelay $0x1  }
0xc3: {  	[tilespmem:s2+$0xFFFFFFE0] =	vst v2  }
0xc4: {  	v2 =	vld [tilespmem:s31+$0xFFFFFF70]  }
0xc5: {  	v3 =	vld [tilespmem:s31+$0xFFFFFFB0];
	_ =	sdelay $0x1  }
0xc6: {  	v4 =	vld [tilespmem:s31+$0xFFFFFFF0];
	_ =	sdelay $0x1  }
0xc7: {  	v5 =	vld [tilespmem:s31+$0x30]  }
0xc8: {  	v2 =	vadd.f32 v3, v2  }
0xc9: {  	v3 =	vld [tilespmem:s31+$0x70]  }
0xca: {  	v2 =	vadd.f32 v4, v2;
	_ =	sdelay $0x1  }
0xcb: {  	v2 =	vadd.f32 v5, v2;
	_ =	sdelay $0x1  }
0xcc: {  	v2 =	vadd.f32 v3, v2;
	_ =	sdelay $0x1  }
0xcd: {  	[tilespmem:s2+$0xFFFFFFF0] =	vst v2  }
0xce: {  	v2 =	vld [tilespmem:s31+$0xFFFFFF80]  }
0xcf: {  	v3 =	vld [tilespmem:s31+$0xFFFFFFC0];
	_ =	sdelay $0x1  }
0xd0: {  	v4 =	vld [tilespmem:s31+$0x0];
	_ =	sdelay $0x1  }
0xd1: {  	v5 =	vld [tilespmem:s31+$0x40]  }
0xd2: {  	v2 =	vadd.f32 v3, v2  }
0xd3: {  	v3 =	vld [tilespmem:s31+$0x80]  }
0xd4: {  	v2 =	vadd.f32 v4, v2;
	_ =	sdelay $0x1  }
0xd5: {  	v2 =	vadd.f32 v5, v2;
	_ =	sdelay $0x1  }
0xd6: {  	v2 =	vadd.f32 v3, v2;
	_ =	sdelay $0x1  }
0xd7: {  	[tilespmem:s2+$0x0] =	vst v2  }
0xd8: {  	v4 =	vld [tilespmem:s31+$0xFFFFFF90]  }
0xd9: {  	v5 =	vld [tilespmem:s31+$0xFFFFFFD0]  }
0xda: {  	v6 =	vld [tilespmem:s31+$0x10]  }
0xdb: {  	v3 =	vld [tilespmem:s31+$0x50]  }
.Ltmp17:
0xdc: {  	v2 =	vld [tilespmem:s31+$0x90];
	(pc) =	sbr.rel @!p2 .LBB2_17-.Ltmp17, $3  }
0xdd: {  	_ = 	snop  }
0xde: {  	v4 =	vadd.f32 v5, v4;
	_ =	sdelay $0x1  }
0xdf: {  	v4 =	vadd.f32 v6, v4  }
.LBB2_18:
0xe0: {  	p2 =	sgt.u32 s28, $0x31  }
.Ltmp18:
0xe1: {  	v3 =	vadd.f32 v3, v4;
	(pc) =	sbr.rel @p2 .LBB2_22-.Ltmp18, $3  }
0xe2: {  	_ = 	snop  }
0xe3: {  	v2 =	vadd.f32 v2, v3;
	_ =	sdelay $0x1  }
0xe4: {  	[tilespmem:s30+$0x10] =	vst v2  }
.LBB2_19:
0xe5: {  	s2 =	ssub.s32 $0x32, s28  }
0xe6: {  	s0 =	sshll.u32 s28, $0x8;
	p2 =	sne.s32 s2, $0x1  }
.Ltmp19:
0xe7: {  	s0 =	sshra.s32 s0, $0x2;
	(pc) =	sbr.rel @!p2 .LBB2_21-.Ltmp19, $4  }
0xe8: {  	s0 =	sadd.s32 $0x8220, s0  }
0xe9: {  	[tilespmem:s0+$0xFFFFFFE0] =	vst v0  }
0xea: {  	[tilespmem:s0+$0x10] =	vst v0  }
0xeb: {  	s2 =	sadd.s32 $0xFFFFFFFF, s2;
	[tilespmem:s0+$0x0] =	vst v0  }
.LBB2_20:
0xec: {  	p2 =	sne.s32 s2, $0x1;
	s2 =	sadd.s32 $0xFFFFFFFF, s2;
	[tilespmem:s0+$0xFFFFFFF0] =	vst v0;
	s0 =	sadd.s32 $0x40, s0  }
.Ltmp20:
0xed: {  	[tilespmem:s0+$0xFFFFFFE0] =	vst v0;
	(pc) =	sbr.rel @p2 .LBB2_20-.Ltmp20, $3  }
0xee: {  	_ =	sdelay $0x1  }
0xef: {  	[tilespmem:s0+$0x10] =	vst v0  }
0xf0: {  	[tilespmem:s0+$0x0] =	vst v0  }
.LBB2_21:
0xf1: {  	[tilespmem:s0+$0xFFFFFFF0] =	vst v0  }
.LBB2_22:
0xf2: {  	s0 =	sadd.s32 s6, s26;
	s2 =	smin.u32 s29, $0x7F  }
0xf3: {  	s0 =	smul.u32 $0x190, s0;
	v2 =	vmov s2;
	_ =	sdelay $0x1  }
0xf4: {  	s0 =	sadd.s32 s1, s0  }
0xf5: {  	[hbm4b:s0+s3] =	stream.linear.scatter [tilespmem:s19], [sflag:$0x5], $0xC80, $0x38;
	[tilespmem:$0x9B80] =	vst v63  }
0xf6: {  	v1 =	vld.idx.msk [tilespmem:v1+s12+$0x0], $0xffff  }
0xf7: {  	v2 =	vld.idx.msk [tilespmem:v2+s12+$0x0], $0xffff;
	_ =	sdelay $0x3  }
0xf8: {  	(v2sf) =	vpush v1, $0x0  }
0xf9: {  	(v2sf) =	vpush @!p0 v2, $0x0;
	_ =	sdelay $0xd  }
0xfa: {  	s28 =	spop (v2sf)  }
0xfb: {  	s0 =	spop @!p0 (v2sf)  }
0xfc: {  	s0 =	smul.u32 @!p0 $0x5, s0;
	_ =	sdelay $0x1  }
0xfd: {  	s0 =	sadd.s32 @!p0 $0x1F, s0  }
0xfe: {  	s2 =	sand.u32 @!p0 $0x1F, s0  }
0xff: {  	p2 =	slt.s32 @!p0 s0, $0x1;
	p3 =	sne.s32 @!p0 s2, $0x0  }
0x100: {  	s29 =	simm.s32 @!p0 $0x1;
	s2 =	sshra.s32 @!p0 s0, $0x1F;
	p2 =	por @!p0 !p2, !p3  }
0x101: {  	_ =	swait.ge @!p0 [sflag:s29], $0x100;
	s2 =	sshrl.u32 @!p0 s2, $0x1B;
	p2 =	por @!p0 !p2, !p2  }
0x102: {  	[sflag:s29] =	ssyncset.done @!p0 $0x0;
	s0 =	sadd.s32 @!p0 s2, s0;
	p2 =	por !p2, p0  }
0x103: {  	[sflag:s29] =	ssyncadd.s32 @!p0 $0xFFFFFF00;
	s0 =	sshra.s32 @!p0 s0, $0x5;
	s29 =	simm.s32 @p2 $0x0  }
0x104: {  	s29 =	ssub.s32 @!p0 s0, s29  }
0x105: {  	p2 =	slt.s32 @!p0 s29, $0x1  }
0x106: {  	p2 =	por p0, p2  }
.Ltmp21:
0x107: {  	_ = 	snop;
	(pc) =	sbr.rel @p2 .LBB2_25-.Ltmp21, $1  }
0x108: {  	_ =	sdelay $0x3  }
0x109: {  	p2 =	sne.s32 s29, $0x1  }
.Ltmp22:
0x10a: {  	_ = 	snop;
	(pc) =	sbr.rel @!p2 .LBB2_25-.Ltmp22, $3  }
0x10b: {  	_ =	sdelay $0x1  }
0x10c: {  	s0 =	simm.s32 @!p0 $0x0;
	s2 =	simm.s32 @!p0 $0x200;
	s29 =	sadd.s32 $0xFFFFFFFF, s29  }
0x10d: {  	[tilespmem:s2], [sflag:$0x3] =	stream.indirect.gather [hbm4b:s5+s15], $0x40, s0, s15, $0xb8;
	[tilespmem:$0x9B80] =	vst v63  }
.LBB2_24:
0x10e: {  	p2 =	sne.s32 s29, $0x1  }
.Ltmp23:
0x10f: {  	_ = 	snop;
	(pc) =	sbr.rel @p2 .LBB2_24-.Ltmp23, $4  }
0x110: {  	_ = 	snop  }
0x111: {  	s0 =	sadd.s32 $0x20, s0;
	s2 =	sadd.s32 $0x800, s2  }
0x112: {  	s29 =	sadd.s32 $0xFFFFFFFF, s29  }
0x113: {  	[tilespmem:s2], [sflag:$0x3] =	stream.indirect.gather [hbm4b:s5+s15], $0x40, s0, s15, $0xb8;
	[tilespmem:$0x9B80] =	vst v63  }
.LBB2_25:
0x114: {  	s0 =	smul.u32 $0x5, s28;
	_ =	sdelay $0x1  }
0x115: {  	s0 =	sadd.s32 $0x1F, s0  }
0x116: {  	s2 =	sand.u32 $0x1F, s0  }
0x117: {  	s29 =	sshra.s32 s0, $0x1F;
	p2 =	slt.s32 s0, $0x1;
	p3 =	sne.s32 s2, $0x0  }
0x118: {  	s31 =	sshrl.u32 s29, $0x1B;
	p2 =	por !p2, !p3  }
0x119: {  	s2 =	simm.s32 $0x1;
	s0 =	sadd.s32 s31, s0;
	p2 =	por !p2, !p2  }
0x11a: {  	s0 =	sshra.s32 s0, $0x5;
	s2 =	simm.s32 @!p2 $0x0  }
0x11b: {  	s0 =	ssub.s32 s0, s2  }
0x11c: {  	p2 =	slt.s32 s0, $0x1  }
.Ltmp24:
0x11d: {  	_ = 	snop;
	(pc) =	sbr.rel @p2 .LBB2_29-.Ltmp24, $1  }
0x11e: {  	_ =	sdelay $0x3  }
0x11f: {  	p2 =	sne.s32 s0, $0x1  }
.Ltmp25:
0x120: {  	_ = 	snop;
	(pc) =	sbr.rel @!p2 .LBB2_28-.Ltmp25, $3  }
0x121: {  	_ =	sdelay $0x1  }
0x122: {  	_ =	swait.ge [sflag:s20], $0x800  }
0x123: {  	s0 =	sadd.s32 $0xFFFFFFFF, s0;
	[sflag:s20] =	ssyncset.done $0x0  }
.LBB2_27:
0x124: {  	p2 =	sne.s32 s0, $0x1;
	s0 =	sadd.s32 $0xFFFFFFFF, s0;
	[sflag:s20] =	ssyncadd.s32 $0xFFFFF800  }
.Ltmp26:
0x125: {  	(pc) =	sbr.rel @p2 .LBB2_27-.Ltmp26, $3  }
0x126: {  	_ =	sdelay $0x1  }
0x127: {  	_ =	swait.ge [sflag:s20], $0x800  }
0x128: {  	[sflag:s20] =	ssyncset.done $0x0  }
.LBB2_28:
0x129: {  	[sflag:s20] =	ssyncadd.s32 $0xFFFFF800  }
.LBB2_29:
0x12a: {  	s0 =	sadd.s32 @!p0 s26, s10  }
0x12b: {  	s0 =	sshll.u32 @!p0 s0, $0x5  }
0x12c: {  	s2 =	simm.s32 @!p0 $0x0;
	s26 =	simm.s32 @!p0 $0x100;
	s0 =	sadd.s32 @!p0 s4, s0  }
0x12d: {  	[tilespmem:s26], [sflag:$0x2] =	stream.linear.gather @!p0 [hbm4b:s0+s2], $0x100, $0x38;
	[tilespmem:$0x9B80] =	vst v63  }
0x12e: {  	p0 =	por p0, !p1  }
0x12f: {  	_ =	swait.ge @p0 [sflag:s22], $0xC80  }
0x130: {  	[sflag:s22] =	ssyncset.done @p0 $0x0  }
0x131: {  	[sflag:s22] =	ssyncadd.s32 @p0 $0xFFFFF380;
	p0 =	sgt.s32 s28, $0x0  }
.Ltmp27:
0x132: {  	_ = 	snop;
	(pc) =	sbr.rel @!p0 .LBB2_33-.Ltmp27, $1  }
0x133: {  	_ =	sdelay $0x3  }
0x134: {  	s29 =	simm.s32 $0x4200  }
0x135: {  	v1 =	vld [tilespmem:s29+$0x40]  }
0x136: {  	v2 =	vld [tilespmem:s29+$0x0];
	_ =	sdelay $0x1  }
0x137: {  	v3 =	vld [tilespmem:s29+$0x80];
	_ =	sdelay $0x1  }
0x138: {  	v4 =	vld [tilespmem:s29+$0xC0]  }
0x139: {  	v1 =	vadd.f32 v1, v2  }
0x13a: {  	v2 =	vld [tilespmem:s29+$0x100]  }
0x13b: {  	v1 =	vadd.f32 v3, v1;
	_ =	sdelay $0x1  }
0x13c: {  	v1 =	vadd.f32 v4, v1;
	_ =	sdelay $0x1  }
0x13d: {  	v1 =	vadd.f32 v2, v1  }
0x13e: {  	s26 =	simm.s32 $0x8EB0  }
0x13f: {  	[tilespmem:s26+$0xFFFFFFD0] =	vst v1  }
0x140: {  	v1 =	vld [tilespmem:s29+$0x10]  }
0x141: {  	v2 =	vld [tilespmem:s29+$0x50];
	_ =	sdelay $0x1  }
0x142: {  	v3 =	vld [tilespmem:s29+$0x90];
	_ =	sdelay $0x1  }
0x143: {  	v4 =	vld [tilespmem:s29+$0xD0]  }
0x144: {  	v1 =	vadd.f32 v2, v1  }
0x145: {  	v2 =	vld [tilespmem:s29+$0x110]  }
0x146: {  	v1 =	vadd.f32 v3, v1;
	_ =	sdelay $0x1  }
0x147: {  	v1 =	vadd.f32 v4, v1;
	_ =	sdelay $0x1  }
0x148: {  	v1 =	vadd.f32 v2, v1;
	_ =	sdelay $0x1  }
0x149: {  	[tilespmem:s26+$0xFFFFFFE0] =	vst v1  }
0x14a: {  	v1 =	vld [tilespmem:s29+$0x20]  }
0x14b: {  	v2 =	vld [tilespmem:s29+$0x60];
	_ =	sdelay $0x1  }
0x14c: {  	v3 =	vld [tilespmem:s29+$0xA0];
	_ =	sdelay $0x1  }
0x14d: {  	v4 =	vld [tilespmem:s29+$0xE0]  }
0x14e: {  	v1 =	vadd.f32 v2, v1  }
0x14f: {  	v2 =	vld [tilespmem:s29+$0x120]  }
0x150: {  	v1 =	vadd.f32 v3, v1;
	_ =	sdelay $0x1  }
0x151: {  	v1 =	vadd.f32 v4, v1;
	_ =	sdelay $0x1  }
0x152: {  	v1 =	vadd.f32 v2, v1;
	_ =	sdelay $0x1  }
0x153: {  	[tilespmem:s26+$0xFFFFFFF0] =	vst v1  }
0x154: {  	v1 =	vld [tilespmem:s29+$0x30]  }
0x155: {  	v2 =	vld [tilespmem:s29+$0x70];
	_ =	sdelay $0x2  }
0x156: {  	p0 =	seq.s32 s28, $0x1;
	v3 =	vld [tilespmem:s29+$0xB0]  }
.Ltmp28:
0x157: {  	_ = 	snop;
	(pc) =	sbr.rel @p0 .LBB2_32-.Ltmp28, $3  }
0x158: {  	v4 =	vadd.f32 v2, v1;
	v2 =	vld [tilespmem:s29+$0xF0];
	_ =	sdelay $0x1  }
0x159: {  	v1 =	vld [tilespmem:s29+$0x130]  }
0x15a: {  	s0 =	sadd.s32 $0xFFFFFFFF, s28;
	s2 =	simm.s32 $0x8EB0;
	v3 =	vadd.f32 v3, v4  }
.LBB2_31:
0x15b: {  	_ = 	snop  }
0x15c: {  	p0 =	seq.s32 s0, $0x1;
	s29 =	sadd.s32 $0x140, s29;
	s2 =	sadd.s32 $0x40, s2;
	v2 =	vadd.f32 v2, v3  }
0x15d: {  	s0 =	sadd.s32 $0xFFFFFFFF, s0  }
0x15e: {  	v1 =	vadd.f32 v1, v2;
	_ =	sdelay $0x1  }
0x15f: {  	[tilespmem:s26+$0x0] =	vst v1;
	s26 =	smov.u32 s2  }
0x160: {  	v1 =	vld [tilespmem:s29+$0x40]  }
0x161: {  	v2 =	vld [tilespmem:s29+$0x0];
	_ =	sdelay $0x1  }
0x162: {  	v3 =	vld [tilespmem:s29+$0x80];
	_ =	sdelay $0x1  }
0x163: {  	v4 =	vld [tilespmem:s29+$0xC0]  }
0x164: {  	v1 =	vadd.f32 v1, v2  }
0x165: {  	v2 =	vld [tilespmem:s29+$0x100]  }
0x166: {  	v1 =	vadd.f32 v3, v1;
	_ =	sdelay $0x1  }
0x167: {  	v1 =	vadd.f32 v4, v1;
	_ =	sdelay $0x1  }
0x168: {  	v1 =	vadd.f32 v2, v1;
	_ =	sdelay $0x1  }
0x169: {  	[tilespmem:s2+$0xFFFFFFD0] =	vst v1  }
0x16a: {  	v1 =	vld [tilespmem:s29+$0x10]  }
0x16b: {  	v2 =	vld [tilespmem:s29+$0x50];
	_ =	sdelay $0x1  }
0x16c: {  	v3 =	vld [tilespmem:s29+$0x90];
	_ =	sdelay $0x1  }
0x16d: {  	v4 =	vld [tilespmem:s29+$0xD0]  }
0x16e: {  	v1 =	vadd.f32 v2, v1  }
0x16f: {  	v2 =	vld [tilespmem:s29+$0x110]  }
0x170: {  	v1 =	vadd.f32 v3, v1;
	_ =	sdelay $0x1  }
0x171: {  	v1 =	vadd.f32 v4, v1;
	_ =	sdelay $0x1  }
0x172: {  	v1 =	vadd.f32 v2, v1;
	_ =	sdelay $0x1  }
0x173: {  	[tilespmem:s2+$0xFFFFFFE0] =	vst v1  }
0x174: {  	v1 =	vld [tilespmem:s29+$0x20]  }
0x175: {  	v2 =	vld [tilespmem:s29+$0x60];
	_ =	sdelay $0x1  }
0x176: {  	v3 =	vld [tilespmem:s29+$0xA0];
	_ =	sdelay $0x1  }
0x177: {  	v4 =	vld [tilespmem:s29+$0xE0]  }
0x178: {  	v1 =	vadd.f32 v2, v1  }
0x179: {  	v2 =	vld [tilespmem:s29+$0x120]  }
0x17a: {  	v1 =	vadd.f32 v3, v1;
	_ =	sdelay $0x1  }
0x17b: {  	v1 =	vadd.f32 v4, v1;
	_ =	sdelay $0x1  }
0x17c: {  	v1 =	vadd.f32 v2, v1;
	_ =	sdelay $0x1  }
0x17d: {  	[tilespmem:s2+$0xFFFFFFF0] =	vst v1  }
0x17e: {  	v3 =	vld [tilespmem:s29+$0x30]  }
0x17f: {  	v4 =	vld [tilespmem:s29+$0x70]  }
0x180: {  	v5 =	vld [tilespmem:s29+$0xB0]  }
0x181: {  	v2 =	vld [tilespmem:s29+$0xF0]  }
.Ltmp29:
0x182: {  	v1 =	vld [tilespmem:s29+$0x130];
	(pc) =	sbr.rel @!p0 .LBB2_31-.Ltmp29, $3  }
0x183: {  	_ = 	snop  }
0x184: {  	v3 =	vadd.f32 v4, v3;
	_ =	sdelay $0x1  }
0x185: {  	v3 =	vadd.f32 v5, v3  }
.LBB2_32:
0x186: {  	p0 =	sgt.u32 s28, $0x31  }
.Ltmp30:
0x187: {  	v2 =	vadd.f32 v2, v3;
	(pc) =	sbr.rel @p0 .LBB2_36-.Ltmp30, $3  }
0x188: {  	_ = 	snop  }
0x189: {  	v1 =	vadd.f32 v1, v2;
	_ =	sdelay $0x1  }
0x18a: {  	[tilespmem:s26+$0x0] =	vst v1  }
.LBB2_33:
0x18b: {  	s2 =	ssub.s32 $0x32, s28  }
0x18c: {  	s0 =	sshll.u32 s28, $0x8;
	p0 =	sne.s32 s2, $0x1  }
.Ltmp31:
0x18d: {  	s0 =	sshra.s32 s0, $0x2;
	(pc) =	sbr.rel @!p0 .LBB2_35-.Ltmp31, $4  }
0x18e: {  	s0 =	sadd.s32 $0x8EB0, s0  }
0x18f: {  	[tilespmem:s0+$0xFFFFFFD0] =	vst v0  }
0x190: {  	[tilespmem:s0+$0x0] =	vst v0  }
0x191: {  	s2 =	sadd.s32 $0xFFFFFFFF, s2;
	[tilespmem:s0+$0xFFFFFFF0] =	vst v0  }
.LBB2_34:
0x192: {  	p0 =	sne.s32 s2, $0x1;
	s2 =	sadd.s32 $0xFFFFFFFF, s2;
	[tilespmem:s0+$0xFFFFFFE0] =	vst v0;
	s0 =	sadd.s32 $0x40, s0  }
.Ltmp32:
0x193: {  	[tilespmem:s0+$0xFFFFFFD0] =	vst v0;
	(pc) =	sbr.rel @p0 .LBB2_34-.Ltmp32, $3  }
0x194: {  	_ =	sdelay $0x1  }
0x195: {  	[tilespmem:s0+$0x0] =	vst v0  }
0x196: {  	[tilespmem:s0+$0xFFFFFFF0] =	vst v0  }
.Ltmp33:
0x197: {  	_ = 	snop;
	(pc) =	sbr.rel .LBB2_35-.Ltmp33, $1  }
0x198: {  	_ =	sdelay $0x3  }
.LBB2_38:
0x199: {  	_ =	sfence.sel $0x180000  }
0x19a: {  	[bflag:$0x0] =	sbarrier.arrive $0xFFFF  }
0x19b: {  	_ =	strace $0x90000047  }
0x19c: {  	s0 =	stileid.u32;
	[bflag:$0x2] =	sbarrier.arrive $0xFFFF  }
0x19d: {  	p0 =	sne.s32 s0, $0x0;
	s0 =	rddreg [dreg:$0x3]  }
0x19e: {  	s0 =	sadd.s32 @!p0 $0x100000, s0  }
0x19f: {  	[sflag:s0] =	ssyncadd.tile.s32 @!p0 $0x1;
	_ =	shalt  }
.Lfunc_end2:
_tile_overlayer_lowered:
.L_overlay_start_2:
0x1a0: {  	(tag) =	ssettag $0x2  }
0x1a1: {  	s0 =	rddreg [dreg:$0x0];
	s2 =	stileid.u32  }
0x1a2: {  	s1 =	rddreg [dreg:$0x1];
	p0 =	sne.s32 s2, $0x0  }
0x1a3: {  	s3 =	rddreg [dreg:$0x2];
	[bflag:$0x3] =	sbarrier.arrive $0xFFFF;
	s2 =	simm.s32 @!p0 $0x1C06  }
0x1a4: {  	[timem:s3], [sflag:s2] =	dma.local @!p0 [hbm:s0], s1  }
0x1a5: {  	s0 =	simm.s32 @!p0 $0x6  }
0x1a6: {  	_ =	swait.ge @!p0 [sflag:s0], s1  }
0x1a7: {  	s1 =	ssub.s32 @!p0 $0x0, s1;
	[sflag:s0] =	ssyncset.done @!p0 $0x0  }
0x1a8: {  	[sflag:s0] =	ssyncadd.s32 @!p0 s1  }
0x1a9: {  	[bflag:$0x3] =	sbarrier.arrive $0xFFFF  }
0x1aa: {  	_ =	shalt  }

// kernel: sparse-core-data-format-call.cloned.1.call-start
scs
called_computation_lowered:
.L_overlay_start_0:
0x0: {  	s2 =	sld [smem:$0x3FD9]  }
0x1: {  	s3 =	sld [smem:$0x3FFE];
	_ =	sdelay $0x1  }
0x2: {  	s1 =	srdreg.scid  }
0x3: {  	s0 =	sand.u32 $0x1, s1  }
0x4: {  	s18 =	sshll.u32 s0, $0xA;
	s2 =	sadd.s32 s3, s2  }
0x5: {  	s2 =	sadd.s32 s2, s18  }
0x6: {  	[smem:$0x3FC5] =	sst s2  }
0x7: {  	_ = 	snop  }
0x8: {  	s2 =	sld [smem:$0x3FD0];
	(tm) =	ssettm $0x1  }
0x9: {  	s19 =	sld [smem:$0x3FFB];
	_ =	sdelay $0x3  }
0xa: {  	_ =	strace s19  }
0xb: {  	s3 =	sld [smem:$0x3FFC];
	_ =	sdelay $0x3  }
0xc: {  	_ =	strace s3  }
0xd: {  	s3 =	sld [smem:$0x3FFD];
	_ =	sdelay $0x3  }
0xe: {  	_ =	strace s3  }
0xf: {  	_ =	strace $0x8FFFFFFF  }
0x10: {  	s20 =	sld [smem:$0x3FDB];
	_ =	sdelay $0x1  }
0x11: {  	s4 =	simm.s32 $_scs_section_size  }
0x12: {  	s5 =	simm.s32 $_size__tile_overlayer_lowered;
	s6 =	simm.s32 $_tile_overlayer_lowered  }
0x13: {  	s23 =	simm.s32 $0x1BFF;
	s22 =	sshll.u32 s6, $0x1;
	s3 =	sadd.s32 s4, s20  }
0x14: {  	s7 =	simm.s32 $0x0;
	s21 =	sshll.u32 s5, $0x1;
	s5 =	sadd.s32 s22, s3  }
0x15: {  	[timem:s7], [sflag:s23] =	dma.local [hbm:s5], s21  }
0x16: {  	_ =	swait.ge [sflag:s23], s21  }
0x17: {  	s4 =	ssub.s32 $0x0, s21;
	[sflag:s23] =	ssyncset.done $0x0  }
0x18: {  	[sflag:s23] =	ssyncadd.s32 s4;
	_ =	sdelay $0x1  }
0x19: {  	s24 =	simm.s32 $0x1B8B  }
0x1a: {  	_ =	swait.ge [sflag:s24], $0x1  }
0x1b: {  	[sflag:s24] =	ssyncset.done $0x0  }
0x1c: {  	s26 =	simm.s32 $0x1B8E;
	s25 =	sld [smem:$0x3FFE];
	[sflag:s24] =	ssyncadd.s32 $0xFFFFFFFF  }
0x1d: {  	s27 =	simm.s32 $execute0_lowered;
	[smem:$0x3FD2] =	sst s26  }
0x1e: {  	s5 =	sshll.u32 s27, $0x1;
	_ =	strace $0x80000049;
	[dreg:$0x1] =	wrdreg $0xFFFFFFFF  }
0x1f: {  	s28 =	simm.s32 $_size_execute0_lowered;
	s3 =	sadd.s32 s3, s5;
	[dreg:$0x0] =	wrdreg $0x0  }
0x20: {  	s5 =	sshll.u32 s28, $0x1;
	[dreg:$0x2] =	wrdreg s3  }
0x21: {  	[dreg:$0x3] =	wrdreg s5  }
0x22: {  	[dreg:$0x4] =	wrdreg $0xC0  }
0x23: {  	_ =	task [dreg:s7], $0x5FFFF  }
0x24: {  	[dreg:$0x1] =	wrdreg $0xFFFFFFFF  }
0x25: {  	[dreg:$0x0] =	wrdreg $0x60  }
0x26: {  	[dreg:$0x2] =	wrdreg s25  }
0x27: {  	[dreg:$0x3] =	wrdreg s2  }
0x28: {  	[dreg:$0x4] =	wrdreg $0x9  }
0x29: {  	_ =	task.clear_ibuf [dreg:s7], $0x5FFFF;
	_ =	strace $0x90000049  }
0x2a: {  	s29 =	simm.s32 $0x9;
	_ =	strace $0x8000004B  }
0x2b: {  	_ =	swait.ge [sflag:s29], $0x1  }
0x2c: {  	[sflag:s29] =	ssyncadd.s32 $0xFFFFFFFF  }
0x2d: {  	_ =	strace $0x9000004B  }
0x2e: {  	_ =	sfence  }
0x2f: {  	s30 =	sld [smem:$0x0];
	_ =	sdelay $0x2  }
0x30: {  	s31 =	sshll.u32 s1, $0xD;
	s1 =	sshrl.u32 s1, $0x2  }
0x31: {  	s3 =	sand.u32 $0x4000, s31;
	s1 =	sadd.s32 s1, s30  }
0x32: {  	s0 =	sor.u32 s3, s0;
	s1 =	sshll.u32 s1, $0x11  }
0x33: {  	s0 =	sor.u32 s1, s0  }
0x34: {  	s0 =	sadd.s32 $0x8F2B, s0  }
0x35: {  	[sflag:s0] =	ssyncadd.remote.s32 $0x1  }
0x36: {  	_ =	sfence.sel $0xFFFF  }
0x37: {  	[dreg:$0x0] =	wrdreg $0xFFFFFFFF;
	(pc) =	sbr.abs _section_cstart, $3  }
0x38: {  	[dreg:$0x1] =	wrdreg $0xFFFFFFFF  }
0x39: {  	_ =	task.clear_ibuf [dreg:s7], $0x2FFFF;
	_ =	strace $0x9FFFFFFF  }
0x3a: {  	(tm) =	ssettm $0x7FFFFFFF  }
0x3b: {  	_ =	shalt  }
tec
execute0_lowered:
.L_overlay_start_1:
0x0: {  	(tag) =	ssettag $0x1  }
0x1: {  	s0 =	srdreg.scid  }
0x2: {  	s1 =	sshll.u32 s0, $0x4  }
0x3: {  	s0 =	stileid.u32;
	s1 =	sand.u32 $0x10, s1  }
0x4: {  	s1 =	sor.u32 s0, s1  }
0x5: {  	s6 =	rddreg [dreg:$0x0];
	s4 =	simm.s32 $0x1;
	s2 =	sshll.u32 s1, $0x7  }
0x6: {  	s7 =	simm.s32 $0x2;
	s12 =	simm.s32 $0x0;
	s1 =	ssub.s32 $0x1000, s2  }
0x7: {  	s8 =	simm.s32 $0x8000;
	s13 =	simm.s32 $0x0;
	s3 =	sand.u32 $0xF80, s1  }
0x8: {  	s9 =	simm.s32 $0x0;
	s5 =	sshrl.u32 s1, $0xC;
	p0 =	sne.s32 s3, $0x0  }
.Ltmp0:
0x9: {  	s1 =	rddreg [dreg:$0x2];
	s4 =	simm.s32 @!p0 $0x0;
	(pc) =	sbr.rel .LBB1_1-.Ltmp0, $4  }
0xa: {  	s11 =	simm.s32 $0x0;
	s3 =	rddreg [dreg:$0x1];
	s5 =	sadd.s32 s4, s5  }
0xb: {  	_ =	strace $0x8000004A;
	s4 =	simm.s32 $0x1;
	s5 =	smul.u32 $0x32, s5  }
0xc: {  	s6 =	sadd.s32 $0x800, s6;
	s10 =	smov.u32 s2;
	[sflag:s4] =	ssyncpa.u1 $0x0  }
0xd: {  	p0 =	por $0x0, $0x0;
	[sflag:s7] =	ssyncpa.u1 $0x0;
	s7 =	sor.u32 $0x1, s5  }
.LBB1_4:
0xe: {  	s16 =	sshll.u32 s13, $0x3;
	s17 =	sand.u32 $0x78, s13  }
0xf: {  	s30 =	sand.u32 $0x7E00, s13;
	s12 =	sshll.u32 s12, $0xF;
	s16 =	sand.u32 $0xC00, s16  }
0x10: {  	[tilespmem:s15+$0x810 ss:$0x81] =	vst.msk $0xffff, v2;
	s31 =	sand.u32 $0x7, s13;
	s16 =	sor.u32 s17, s16;
	s17 =	sadd.s32 s3, s30  }
0x11: {  	[tilespmem:s15+$0x1020 ss:$0x81] =	vst.msk $0xffff, v0;
	s13 =	sshll.u32 s31, $0x12;
	s12 =	sadd.s32 s12, s17;
	s16 =	sshrl.u32 s16, $0x3  }
0x12: {  	[tilespmem:s15+$0x0 ss:$0x81] =	vst.msk $0xffff, v1;
	s13 =	sor.u32 $0x400, s13;
	s12 =	sadd.s32 s16, s12  }
0x13: {  	[hbm4b:s12+s13] =	stream.strided.scatter [tilespmem:s14], [sflag:$0x2], $0x2000, s8, s13, $0x20;
	[tilespmem:$0x8080] =	vst v63  }
.LBB1_5:
0x14: {  	s14 =	sadd.s32 $0x1, s9  }
0x15: {  	s12 =	sadd.s32 $0x1000, s10;
	s16 =	smov.u32 s10;
	p2 =	sgt.s32 s14, $0x31  }
0x16: {  	s16 =	smov.u32 @p2 s12  }
0x17: {  	s14 =	simm.s32 @p2 $0x0;
	p2 =	sgt.s32 s16, $0xFFF  }
0x18: {  	s16 =	smov.u32 @p2 s2;
	p2 =	sne.s32 s11, s7  }
.Ltmp1:
0x19: {  	p1 =	slt.u32 s11, $0x2;
	(pc) =	sbr.rel @!p2 .LBB1_6-.Ltmp1, $4  }
0x1a: {  	s15 =	simm.s32 @!p1 $0x2  }
0x1b: {  	s13 =	smov.u32 s10;
	p0 =	por !p0, !p0;
	_ =	swait.ge @!p1 [sflag:s15], $0x2000  }
0x1c: {  	s12 =	smov.u32 s9;
	[sflag:s15] =	ssyncset.done @!p1 $0x0;
	s9 =	smov.u32 s14  }
0x1d: {  	s11 =	sadd.s32 $0x1, s11;
	[sflag:s15] =	ssyncadd.s32 @!p1 $0xFFFFE000;
	s10 =	smov.u32 s16  }
.LBB1_1:
0x1e: {  	p1 =	sge.u32 s11, s5  }
0x1f: {  	s14 =	sand.u32 @!p1 $0x1FFFFFF, s9  }
0x20: {  	s15 =	smulhi.u32 @!p1 $0x4924925, s14;
	_ =	sdelay $0x1  }
0x21: {  	s15 =	smul.u32 @!p1 $0x38, s15  }
0x22: {  	s16 =	sxor.u32 @!p1 $0xFFFFFFFF, s11;
	s17 =	smul.u32 @!p1 $0x380, s10  }
0x23: {  	s31 =	sadd.s32 $0xFFFFFFFF, s11;
	s16 =	sshll.u32 @!p1 s16, $0xD;
	s14 =	ssub.s32 @!p1 s14, s15  }
0x24: {  	s15 =	sand.u32 @!p1 $0x2000, s16;
	s16 =	sadd.s32 @!p1 s6, s17;
	s14 =	sshll.u32 @!p1 s14, $0x4  }
0x25: {  	s17 =	simm.s32 @!p1 $0x1C00;
	s14 =	sadd.s32 @!p1 s14, s16;
	s16 =	simm.s32 @!p1 $0x40  }
0x26: {  	[tilespmem:s15], [sflag:$0x1] =	stream.strided.gather @!p1 [hbm4b:s14+s16], $0x2000, s17, s16, $0x38;
	[tilespmem:$0x8080] =	vst v63  }
0x27: {  	p1 =	sge.u32 s31, s5  }
.Ltmp2:
0x28: {  	_ = 	snop;
	(pc) =	sbr.rel @p1 .LBB1_5-.Ltmp2, $1  }
0x29: {  	_ =	sdelay $0x3  }
0x2a: {  	s14 =	simm.s32 $0x1  }
0x2b: {  	_ =	swait.ge [sflag:s4], $0x2000;
	s14 =	simm.s32 @!p0 $0x0  }
0x2c: {  	[sflag:s4] =	ssyncset.done $0x0;
	s15 =	sshll.u32 s14, $0xD  }
0x2d: {  	[sflag:s4] =	ssyncadd.s32 $0xFFFFE000;
	s18 =	sor.u32 $0x20, s15  }
0x2e: {  	s14 =	smul.u32 $0x8100, s14;
	v3 =	vld [tilespmem:s18+$0x10]  }
0x2f: {  	s30 =	sand.u32 $0x1, s11;
	v2 =	vld [tilespmem:s18+$0xFFFFFFF0]  }
0x30: {  	s15 =	smul.u32 $0x8100, s30;
	s14 =	sshrl.u32 s14, $0x2;
	v0 =	vld [tilespmem:s18+$0x0]  }
0x31: {  	v1 =	vld [tilespmem:s18+$0xFFFFFFE0];
	s16 =	sor.u32 $0x4000, s14  }
0x32: {  	s31 =	sshrl.u32 s15, $0x2;
	s15 =	sadd.s32 $0x0, s16  }
0x33: {  	s17 =	simm.s32 $0x4;
	s18 =	sadd.s32 $0x40, s18;
	s14 =	sor.u32 $0x4000, s31;
	[tilespmem:s15+$0x1830 ss:$0x81] =	vst.msk $0xffff, v3  }
.LBB1_3:
0x34: {  	v3 =	vld [tilespmem:s18+$0x10];
	p1 =	sne.s32 s17, $0x1FC;
	[tilespmem:s15+$0x810 ss:$0x81] =	vst.msk $0xffff, v2;
	s19 =	smov.u32 s17;
	s17 =	sadd.s32 $0x4, s17  }
.Ltmp3:
0x35: {  	v2 =	vld [tilespmem:s18+$0xFFFFFFF0];
	[tilespmem:s15+$0x1020 ss:$0x81] =	vst.msk $0xffff, v0;
	(pc) =	sbr.rel @p1 .LBB1_3-.Ltmp3, $4  }
0x36: {  	v0 =	vld [tilespmem:s18+$0x0];
	[tilespmem:s15+$0x0 ss:$0x81] =	vst.msk $0xffff, v1  }
0x37: {  	s15 =	sshra.s32 s19, $0x2;
	v1 =	vld [tilespmem:s18+$0xFFFFFFE0]  }
0x38: {  	s15 =	sadd.s32 s15, s16  }
0x39: {  	s18 =	sadd.s32 $0x40, s18;
	[tilespmem:s15+$0x1830 ss:$0x81] =	vst.msk $0xffff, v3  }
.Ltmp4:
0x3a: {  	_ = 	snop;
	(pc) =	sbr.rel .LBB1_4-.Ltmp4, $1  }
0x3b: {  	_ =	sdelay $0x3  }
.LBB1_6:
0x3c: {  	_ =	sfence.sel $0x180000  }
0x3d: {  	s2 =	simm.s32 $0x1;
	[bflag:$0x0] =	sbarrier.arrive $0xFFFF  }
0x3e: {  	s31 =	simm.s32 $0x2;
	[sflag:s2] =	ssyncpa.u1 $0x1  }
0x3f: {  	[sflag:s31] =	ssyncpa.u1 $0x1  }
0x40: {  	p0 =	sne.s32 s0, $0x0;
	_ =	strace $0x9000004A  }
0x41: {  	s0 =	sadd.s32 @!p0 $0x100000, s1;
	[bflag:$0x2] =	sbarrier.arrive $0xFFFF  }
0x42: {  	[sflag:s0] =	ssyncadd.tile.s32 @!p0 $0x1;
	_ =	shalt  }
.Lfunc_end1:
_tile_overlayer_lowered:
.L_overlay_start_2:
0x43: {  	(tag) =	ssettag $0x2  }
0x44: {  	s0 =	rddreg [dreg:$0x0];
	s2 =	stileid.u32  }
0x45: {  	s1 =	rddreg [dreg:$0x1];
	p0 =	sne.s32 s2, $0x0  }
0x46: {  	s3 =	rddreg [dreg:$0x2];
	[bflag:$0x3] =	sbarrier.arrive $0xFFFF;
	s2 =	simm.s32 @!p0 $0x1C01  }
0x47: {  	[timem:s3], [sflag:s2] =	dma.local @!p0 [hbm:s0], s1  }
0x48: {  	s0 =	simm.s32 @!p0 $0x1  }
0x49: {  	_ =	swait.ge @!p0 [sflag:s0], s1  }
0x4a: {  	s1 =	ssub.s32 @!p0 $0x0, s1;
	[sflag:s0] =	ssyncset.done @!p0 $0x0  }
0x4b: {  	[sflag:s0] =	ssyncadd.s32 @!p0 s1  }
0x4c: {  	[bflag:$0x3] =	sbarrier.arrive $0xFFFF  }
0x4d: {  	_ =	shalt  }

</sc_bundles>
